<compile_context>
chip_gen: v7x
topology: tpu7x:2x2x1
jax: 0.10.2.dev20260603
libtpu: 0.0.44.dev20260713+nightly
codegen_flags: <defaults>
</compile_context>

<pallas_src>
import jax
import jax.numpy as jnp
from jax import lax
from jax.experimental import pallas as pl
from jax.experimental.pallas import tpu as pltpu
from jax.experimental.pallas import tpu_sc as plsc

BATCH = 16384
HIST = 200
DIM = 32
TOTAL = BATCH * HIST
NC, NS = 2, 16
NW = NC * NS
NB = 4
CHUNK = NB * HIST
BAT_PER_W = BATCH // NW
CHUNKS_PER_W = BAT_PER_W // NB
SPLITS = ((0, 128), (128, 72))


def _gather_body(idx_hbm, table_hbm, out_hbm,
                 idx_v0, idx_v1, rows_v0, rows_v1,
                 si0, si1, sg0, sg1, so0, so1):
    wid = lax.axis_index("s") * NC + lax.axis_index("c")
    bat0 = wid * BAT_PER_W

    idx_v = (idx_v0, idx_v1)
    rows_v = (rows_v0, rows_v1)
    si = (si0, si1)
    sg = (sg0, sg1)
    so = (so0, so1)

    def idx_slice(g):
        return idx_hbm.at[pl.ds((bat0 + g * NB) * HIST, CHUNK)]

    def out_slice(g):
        return out_hbm.at[pl.ds(bat0 + g * NB, NB)]

    def fire_gathers(b):
        for row in range(NB):
            for off, ln in SPLITS:
                pltpu.async_copy(
                    table_hbm.at[idx_v[b].at[pl.ds(row * HIST + off, ln)]],
                    rows_v[b].at[row, pl.ds(off, ln)],
                    sg[b],
                )

    def drain_gathers(b):
        for row in range(NB):
            for off, ln in SPLITS:
                pltpu.make_async_copy(
                    table_hbm.at[idx_v[b].at[pl.ds(row * HIST + off, ln)]],
                    rows_v[b].at[row, pl.ds(off, ln)],
                    sg[b],
                ).wait()

    pltpu.async_copy(idx_slice(0), idx_v[0], si[0])

    def round_fn(r, carry):
        for b in range(2):
            g = r * 2 + b
            ob = 1 - b
            pltpu.make_async_copy(idx_slice(g), idx_v[b], si[b]).wait()

            @pl.when(r > 0)
            def _():
                pltpu.make_async_copy(rows_v[b], out_slice(g), so[b]).wait()

            fire_gathers(b)

            @pl.when(g >= 1)
            def _():
                drain_gathers(ob)
                pltpu.async_copy(rows_v[ob], out_slice(g - 1), so[ob])

            @pl.when(g + 1 < CHUNKS_PER_W)
            def _():
                pltpu.async_copy(idx_slice(g + 1), idx_v[ob], si[ob])
        return carry

    lax.fori_loop(0, CHUNKS_PER_W // 2, round_fn, 0)

    last = CHUNKS_PER_W - 1
    drain_gathers(1)
    pltpu.async_copy(rows_v[1], out_slice(last), so[1])
    pltpu.make_async_copy(rows_v[0], out_slice(last - 1), so[0]).wait()
    pltpu.make_async_copy(rows_v[1], out_slice(last), so[1]).wait()


def kernel(input, weight):
    idx1d = input.reshape(TOTAL).astype(jnp.int32)
    mesh = plsc.VectorSubcoreMesh(core_axis_name="c", subcore_axis_name="s")
    return pl.kernel(
        _gather_body,
        mesh=mesh,
        out_type=jax.ShapeDtypeStruct((BATCH, HIST, DIM), jnp.float32),
        scratch_types=[
            pltpu.VMEM((CHUNK,), jnp.int32),
            pltpu.VMEM((CHUNK,), jnp.int32),
            pltpu.VMEM((NB, HIST, DIM), jnp.float32),
            pltpu.VMEM((NB, HIST, DIM), jnp.float32),
            pltpu.SemaphoreType.DMA,
            pltpu.SemaphoreType.DMA,
            pltpu.SemaphoreType.DMA,
            pltpu.SemaphoreType.DMA,
            pltpu.SemaphoreType.DMA,
            pltpu.SemaphoreType.DMA,
        ],
        compiler_params=pltpu.CompilerParams(use_tc_tiling_on_sc=False),
    )(idx1d, weight)

# --- scband reference (transcript-rebuilt; emitter-appended) ---
"""Pipeline reference for scband-poincare-embedding-18588618457575 (READ-ONLY COPY).

The authoritative reference and input builder live on the scoring server;
editing this copy changes nothing except your own understanding.
"""

import jax, jax.numpy as jnp
import numpy as np

NUM_EMBEDDINGS = 1000000
EMBEDDING_DIM = 32
BATCH = 16384
HIST_LEN = 200

def setup_inputs(seed: int = 0) -> dict:
    key = jax.random.key(seed)
    k_idx, k_w = jax.random.split(key)
    indices = jax.random.randint(k_idx, (BATCH, HIST_LEN), 0, NUM_EMBEDDINGS, dtype=jnp.int64 if jax.config.jax_enable_x64 else jnp.int32)
    # Poincare-ball style init: random direction scaled by small radial distance
    direction = jax.random.normal(k_w, (NUM_EMBEDDINGS, EMBEDDING_DIM), dtype=jnp.float32)
    direction = direction / jnp.clip(jnp.linalg.norm(direction, axis=-1, keepdims=True), 1e-7)
    k_d = jax.random.fold_in(k_w, 1)
    distance = jax.random.normal(k_d, (NUM_EMBEDDINGS, 1), dtype=jnp.float32) * 0.01
    # expmap0 on Poincare ball with c=1: tanh(sqrt(c)*||v||) * v / (sqrt(c)*||v||)
    v = direction * distance
    vnorm = jnp.clip(jnp.linalg.norm(v, axis=-1, keepdims=True), 1e-15)
    weight = jnp.tanh(vnorm) * v / vnorm
    return {"input": indices, "weight": weight}

def reference(input, weight):
    # F.embedding with padding_idx=None, max_norm=None -> plain row gather
    return jnp.take(weight, input, axis=0)

if __name__ == "__main__":
    import jax
    _d = setup_inputs()
    print(jax.jit(kernel)(*tuple(_d.values())))

</pallas_src>

<mosaic_0001>
#map = affine_map<(d0, d1) -> (0)>
#map1 = affine_map<(d0, d1) -> (0, 0)>
#map2 = affine_map<(d0, d1) -> (0, 0, 0)>
module attributes {stable_mosaic.version = 14 : i64} {
  func.func @_gather_body(%arg0: i32, %arg1: i32, %arg2: memref<3276800xi32, #tpu.memory_space<hbm>>, %arg3: memref<1000000x32xf32, #tpu.memory_space<hbm>>, %arg4: memref<16384x200x32xf32, #tpu.memory_space<hbm>>, %arg5: memref<800xi32, #tpu.memory_space<vmem>>, %arg6: memref<800xi32, #tpu.memory_space<vmem>>, %arg7: memref<4x200x32xf32, #tpu.memory_space<vmem>>, %arg8: memref<4x200x32xf32, #tpu.memory_space<vmem>>, %arg9: memref<!tpu.dma_semaphore, #tpu.memory_space<semaphore_mem>>, %arg10: memref<!tpu.dma_semaphore, #tpu.memory_space<semaphore_mem>>, %arg11: memref<!tpu.dma_semaphore, #tpu.memory_space<semaphore_mem>>, %arg12: memref<!tpu.dma_semaphore, #tpu.memory_space<semaphore_mem>>, %arg13: memref<!tpu.dma_semaphore, #tpu.memory_space<semaphore_mem>>, %arg14: memref<!tpu.dma_semaphore, #tpu.memory_space<semaphore_mem>>) attributes {dimension_semantics = [#tpu.dimension_semantics<core_parallel>, #tpu.dimension_semantics<subcore_parallel>], iteration_bounds = array<i64: 2, 16>, scalar_prefetch = 0 : i64, scratch_operands = 10 : i64, tpu.core_type = #tpu.core_type<sc_vector_subcore>, window_params = [{transform_indices = #map}, {transform_indices = #map1}, {transform_indices = #map2}]} {
    %mul3A = arith.constant 2 : i32
    %mul3A_0 = arith.muli %arg1, %mul3A : i32
    %add3A = arith.addi %mul3A_0, %arg0 : i32
    %mul3A_1 = arith.constant 512 : i32
    %mul3A_2 = arith.muli %add3A, %mul3A_1 : i32
    %add3A_3 = arith.constant 0 : i32
    %add3A_4 = arith.addi %mul3A_2, %add3A_3 : i32
    %mul3A_5 = arith.constant 200 : i32
    %mul3A_6 = arith.muli %add3A_4, %mul3A_5 : i32
    %dma_start3A = tpu.memref_slice %arg2[%mul3A_6] : memref<3276800xi32, #tpu.memory_space<hbm>> -> memref<800xi32, #tpu.memory_space<hbm>>
    %dma_start3A_7 = tpu.memref_slice %arg2[%mul3A_6] : memref<3276800xi32, #tpu.memory_space<hbm>> -> memref<800xi32, #tpu.memory_space<hbm>>
    tpu.enqueue_dma source(%dma_start3A_7 : memref<800xi32, #tpu.memory_space<hbm>>) target(%arg5 : memref<800xi32, #tpu.memory_space<vmem>>) target_semaphore(%arg9 : memref<!tpu.dma_semaphore, #tpu.memory_space<semaphore_mem>>)
    %scan3A = arith.constant 0 : i32
    %scan3A_8 = arith.constant 0 : i32
    %scan3A_9 = arith.constant 64 : i32
    %scan3A_10 = arith.addi %scan3A_8, %scan3A_9 : i32
    %scan3A_11 = arith.constant 1 : i32
    scf.for %scan3A_116 = %scan3A_8 to %scan3A_10 step %scan3A_11  : i32 {
      %mul3A_117 = arith.constant 2 : i32
      %mul3A_118 = arith.muli %scan3A_116, %mul3A_117 : i32
      %add3A_119 = arith.constant 0 : i32
      %add3A_120 = arith.addi %mul3A_118, %add3A_119 : i32
      %mul3A_121 = arith.constant 4 : i32
      %mul3A_122 = arith.muli %add3A_120, %mul3A_121 : i32
      %add3A_123 = arith.addi %mul3A_2, %mul3A_122 : i32
      %mul3A_124 = arith.constant 200 : i32
      %mul3A_125 = arith.muli %add3A_123, %mul3A_124 : i32
      %dma_wait3A_126 = tpu.memref_slice %arg2[%mul3A_125] : memref<3276800xi32, #tpu.memory_space<hbm>> -> memref<800xi32, #tpu.memory_space<hbm>>
      %dma_wait3A_127 = tpu.memref_slice %arg2[%mul3A_125] : memref<3276800xi32, #tpu.memory_space<hbm>> -> memref<800xi32, #tpu.memory_space<hbm>>
      tpu.wait_dma2 semaphore(%arg9 : memref<!tpu.dma_semaphore, #tpu.memory_space<semaphore_mem>>) src(%dma_wait3A_127 : memref<800xi32, #tpu.memory_space<hbm>>) dst(%arg5 : memref<800xi32, #tpu.memory_space<vmem>>)
      %gt3A = arith.constant 0 : i32
      %gt3A_128 = arith.cmpi sgt, %scan3A_116, %gt3A : i32
      %convert_element_type3A = arith.extui %gt3A_128 : i1 to i32
      %cond3A = arith.constant 0 : i32
      %cond3A_129 = arith.cmpi ne, %convert_element_type3A, %cond3A : i32
      scf.if %cond3A_129 {
        %mul3A_328 = arith.constant 4 : i32
        %mul3A_329 = arith.muli %add3A_120, %mul3A_328 : i32
        %add3A_330 = arith.addi %mul3A_2, %mul3A_329 : i32
        %dma_wait3A_331 = arith.constant 0 : i32
        %dma_wait3A_332 = arith.constant 0 : i32
        %dma_wait3A_333 = tpu.memref_slice %arg4[%add3A_330, %dma_wait3A_331, %dma_wait3A_332] : memref<16384x200x32xf32, #tpu.memory_space<hbm>> -> memref<4x200x32xf32, #tpu.memory_space<hbm>>
        %dma_wait3A_334 = arith.constant 0 : i32
        %dma_wait3A_335 = arith.constant 0 : i32
        %dma_wait3A_336 = tpu.memref_slice %arg4[%add3A_330, %dma_wait3A_334, %dma_wait3A_335] : memref<16384x200x32xf32, #tpu.memory_space<hbm>> -> memref<4x200x32xf32, #tpu.memory_space<hbm>>
        tpu.wait_dma2 semaphore(%arg13 : memref<!tpu.dma_semaphore, #tpu.memory_space<semaphore_mem>>) src(%arg7 : memref<4x200x32xf32, #tpu.memory_space<vmem>>) dst(%dma_wait3A_336 : memref<4x200x32xf32, #tpu.memory_space<hbm>>)
      } else {
      }
      %dma_start3A_130 = arith.constant 0 : i32
      %dma_start3A_131 = arith.constant 0 : i32
      %dma_start3A_132 = arith.constant 0 : i32
      %dma_start3A_133 = tpu.memref_slice %arg7[%dma_start3A_130, %dma_start3A_131, %dma_start3A_132] : memref<4x200x32xf32, #tpu.memory_space<vmem>> -> memref<1x128x32xf32, #tpu.memory_space<vmem>>
      %dma_start3A_134 = tpu.memref_squeeze %dma_start3A_133 : memref<1x128x32xf32, #tpu.memory_space<vmem>> -> memref<128x32xf32, #tpu.memory_space<vmem>>
      %dma_start3A_135 = arith.constant 0 : i32
      %dma_start3A_136 = tpu.memref_slice %arg5[%dma_start3A_135] : memref<800xi32, #tpu.memory_space<vmem>> -> memref<128xi32, #tpu.memory_space<vmem>>
      %dma_start3A_137 = arith.constant 0 : i32
      %dma_start3A_138 = arith.constant 0 : i32
      %dma_start3A_139 = tpu.memref_slice %arg3[%dma_start3A_137, %dma_start3A_138] : memref<1000000x32xf32, #tpu.memory_space<hbm>> -> memref<1000000x32xf32, #tpu.memory_space<hbm>>
      tpu.enqueue_indirect_dma source(%dma_start3A_139 : memref<1000000x32xf32, #tpu.memory_space<hbm>>) target(%dma_start3A_134 : memref<128x32xf32, #tpu.memory_space<vmem>>) offsets(%dma_start3A_136 : memref<128xi32, #tpu.memory_space<vmem>>) semaphore(%arg11 : memref<!tpu.dma_semaphore, #tpu.memory_space<semaphore_mem>>)
      %dma_start3A_140 = arith.constant 0 : i32
      %dma_start3A_141 = arith.constant 128 : i32
      %dma_start3A_142 = arith.constant 0 : i32
      %dma_start3A_143 = tpu.memref_slice %arg7[%dma_start3A_140, %dma_start3A_141, %dma_start3A_142] : memref<4x200x32xf32, #tpu.memory_space<vmem>> -> memref<1x72x32xf32, #tpu.memory_space<vmem>>
      %dma_start3A_144 = tpu.memref_squeeze %dma_start3A_143 : memref<1x72x32xf32, #tpu.memory_space<vmem>> -> memref<72x32xf32, #tpu.memory_space<vmem>>
      %dma_start3A_145 = arith.constant 128 : i32
      %dma_start3A_146 = tpu.memref_slice %arg5[%dma_start3A_145] : memref<800xi32, #tpu.memory_space<vmem>> -> memref<72xi32, #tpu.memory_space<vmem>>
      %dma_start3A_147 = arith.constant 0 : i32
      %dma_start3A_148 = arith.constant 0 : i32
      %dma_start3A_149 = tpu.memref_slice %arg3[%dma_start3A_147, %dma_start3A_148] : memref<1000000x32xf32, #tpu.memory_space<hbm>> -> memref<1000000x32xf32, #tpu.memory_space<hbm>>
      tpu.enqueue_indirect_dma source(%dma_start3A_149 : memref<1000000x32xf32, #tpu.memory_space<hbm>>) target(%dma_start3A_144 : memref<72x32xf32, #tpu.memory_space<vmem>>) offsets(%dma_start3A_146 : memref<72xi32, #tpu.memory_space<vmem>>) semaphore(%arg11 : memref<!tpu.dma_semaphore, #tpu.memory_space<semaphore_mem>>)
      %dma_start3A_150 = arith.constant 1 : i32
      %dma_start3A_151 = arith.constant 0 : i32
      %dma_start3A_152 = arith.constant 0 : i32
      %dma_start3A_153 = tpu.memref_slice %arg7[%dma_start3A_150, %dma_start3A_151, %dma_start3A_152] : memref<4x200x32xf32, #tpu.memory_space<vmem>> -> memref<1x128x32xf32, #tpu.memory_space<vmem>>
      %dma_start3A_154 = tpu.memref_squeeze %dma_start3A_153 : memref<1x128x32xf32, #tpu.memory_space<vmem>> -> memref<128x32xf32, #tpu.memory_space<vmem>>
      %dma_start3A_155 = arith.constant 200 : i32
      %dma_start3A_156 = tpu.memref_slice %arg5[%dma_start3A_155] : memref<800xi32, #tpu.memory_space<vmem>> -> memref<128xi32, #tpu.memory_space<vmem>>
      %dma_start3A_157 = arith.constant 0 : i32
      %dma_start3A_158 = arith.constant 0 : i32
      %dma_start3A_159 = tpu.memref_slice %arg3[%dma_start3A_157, %dma_start3A_158] : memref<1000000x32xf32, #tpu.memory_space<hbm>> -> memref<1000000x32xf32, #tpu.memory_space<hbm>>
      tpu.enqueue_indirect_dma source(%dma_start3A_159 : memref<1000000x32xf32, #tpu.memory_space<hbm>>) target(%dma_start3A_154 : memref<128x32xf32, #tpu.memory_space<vmem>>) offsets(%dma_start3A_156 : memref<128xi32, #tpu.memory_space<vmem>>) semaphore(%arg11 : memref<!tpu.dma_semaphore, #tpu.memory_space<semaphore_mem>>)
      %dma_start3A_160 = arith.constant 1 : i32
      %dma_start3A_161 = arith.constant 128 : i32
      %dma_start3A_162 = arith.constant 0 : i32
      %dma_start3A_163 = tpu.memref_slice %arg7[%dma_start3A_160, %dma_start3A_161, %dma_start3A_162] : memref<4x200x32xf32, #tpu.memory_space<vmem>> -> memref<1x72x32xf32, #tpu.memory_space<vmem>>
      %dma_start3A_164 = tpu.memref_squeeze %dma_start3A_163 : memref<1x72x32xf32, #tpu.memory_space<vmem>> -> memref<72x32xf32, #tpu.memory_space<vmem>>
      %dma_start3A_165 = arith.constant 328 : i32
      %dma_start3A_166 = tpu.memref_slice %arg5[%dma_start3A_165] : memref<800xi32, #tpu.memory_space<vmem>> -> memref<72xi32, #tpu.memory_space<vmem>>
      %dma_start3A_167 = arith.constant 0 : i32
      %dma_start3A_168 = arith.constant 0 : i32
      %dma_start3A_169 = tpu.memref_slice %arg3[%dma_start3A_167, %dma_start3A_168] : memref<1000000x32xf32, #tpu.memory_space<hbm>> -> memref<1000000x32xf32, #tpu.memory_space<hbm>>
      tpu.enqueue_indirect_dma source(%dma_start3A_169 : memref<1000000x32xf32, #tpu.memory_space<hbm>>) target(%dma_start3A_164 : memref<72x32xf32, #tpu.memory_space<vmem>>) offsets(%dma_start3A_166 : memref<72xi32, #tpu.memory_space<vmem>>) semaphore(%arg11 : memref<!tpu.dma_semaphore, #tpu.memory_space<semaphore_mem>>)
      %dma_start3A_170 = arith.constant 2 : i32
      %dma_start3A_171 = arith.constant 0 : i32
      %dma_start3A_172 = arith.constant 0 : i32
      %dma_start3A_173 = tpu.memref_slice %arg7[%dma_start3A_170, %dma_start3A_171, %dma_start3A_172] : memref<4x200x32xf32, #tpu.memory_space<vmem>> -> memref<1x128x32xf32, #tpu.memory_space<vmem>>
      %dma_start3A_174 = tpu.memref_squeeze %dma_start3A_173 : memref<1x128x32xf32, #tpu.memory_space<vmem>> -> memref<128x32xf32, #tpu.memory_space<vmem>>
      %dma_start3A_175 = arith.constant 400 : i32
      %dma_start3A_176 = tpu.memref_slice %arg5[%dma_start3A_175] : memref<800xi32, #tpu.memory_space<vmem>> -> memref<128xi32, #tpu.memory_space<vmem>>
      %dma_start3A_177 = arith.constant 0 : i32
      %dma_start3A_178 = arith.constant 0 : i32
      %dma_start3A_179 = tpu.memref_slice %arg3[%dma_start3A_177, %dma_start3A_178] : memref<1000000x32xf32, #tpu.memory_space<hbm>> -> memref<1000000x32xf32, #tpu.memory_space<hbm>>
      tpu.enqueue_indirect_dma source(%dma_start3A_179 : memref<1000000x32xf32, #tpu.memory_space<hbm>>) target(%dma_start3A_174 : memref<128x32xf32, #tpu.memory_space<vmem>>) offsets(%dma_start3A_176 : memref<128xi32, #tpu.memory_space<vmem>>) semaphore(%arg11 : memref<!tpu.dma_semaphore, #tpu.memory_space<semaphore_mem>>)
      %dma_start3A_180 = arith.constant 2 : i32
      %dma_start3A_181 = arith.constant 128 : i32
      %dma_start3A_182 = arith.constant 0 : i32
      %dma_start3A_183 = tpu.memref_slice %arg7[%dma_start3A_180, %dma_start3A_181, %dma_start3A_182] : memref<4x200x32xf32, #tpu.memory_space<vmem>> -> memref<1x72x32xf32, #tpu.memory_space<vmem>>
      %dma_start3A_184 = tpu.memref_squeeze %dma_start3A_183 : memref<1x72x32xf32, #tpu.memory_space<vmem>> -> memref<72x32xf32, #tpu.memory_space<vmem>>
      %dma_start3A_185 = arith.constant 528 : i32
      %dma_start3A_186 = tpu.memref_slice %arg5[%dma_start3A_185] : memref<800xi32, #tpu.memory_space<vmem>> -> memref<72xi32, #tpu.memory_space<vmem>>
      %dma_start3A_187 = arith.constant 0 : i32
      %dma_start3A_188 = arith.constant 0 : i32
      %dma_start3A_189 = tpu.memref_slice %arg3[%dma_start3A_187, %dma_start3A_188] : memref<1000000x32xf32, #tpu.memory_space<hbm>> -> memref<1000000x32xf32, #tpu.memory_space<hbm>>
      tpu.enqueue_indirect_dma source(%dma_start3A_189 : memref<1000000x32xf32, #tpu.memory_space<hbm>>) target(%dma_start3A_184 : memref<72x32xf32, #tpu.memory_space<vmem>>) offsets(%dma_start3A_186 : memref<72xi32, #tpu.memory_space<vmem>>) semaphore(%arg11 : memref<!tpu.dma_semaphore, #tpu.memory_space<semaphore_mem>>)
      %dma_start3A_190 = arith.constant 3 : i32
      %dma_start3A_191 = arith.constant 0 : i32
      %dma_start3A_192 = arith.constant 0 : i32
      %dma_start3A_193 = tpu.memref_slice %arg7[%dma_start3A_190, %dma_start3A_191, %dma_start3A_192] : memref<4x200x32xf32, #tpu.memory_space<vmem>> -> memref<1x128x32xf32, #tpu.memory_space<vmem>>
      %dma_start3A_194 = tpu.memref_squeeze %dma_start3A_193 : memref<1x128x32xf32, #tpu.memory_space<vmem>> -> memref<128x32xf32, #tpu.memory_space<vmem>>
      %dma_start3A_195 = arith.constant 600 : i32
      %dma_start3A_196 = tpu.memref_slice %arg5[%dma_start3A_195] : memref<800xi32, #tpu.memory_space<vmem>> -> memref<128xi32, #tpu.memory_space<vmem>>
      %dma_start3A_197 = arith.constant 0 : i32
      %dma_start3A_198 = arith.constant 0 : i32
      %dma_start3A_199 = tpu.memref_slice %arg3[%dma_start3A_197, %dma_start3A_198] : memref<1000000x32xf32, #tpu.memory_space<hbm>> -> memref<1000000x32xf32, #tpu.memory_space<hbm>>
      tpu.enqueue_indirect_dma source(%dma_start3A_199 : memref<1000000x32xf32, #tpu.memory_space<hbm>>) target(%dma_start3A_194 : memref<128x32xf32, #tpu.memory_space<vmem>>) offsets(%dma_start3A_196 : memref<128xi32, #tpu.memory_space<vmem>>) semaphore(%arg11 : memref<!tpu.dma_semaphore, #tpu.memory_space<semaphore_mem>>)
      %dma_start3A_200 = arith.constant 3 : i32
      %dma_start3A_201 = arith.constant 128 : i32
      %dma_start3A_202 = arith.constant 0 : i32
      %dma_start3A_203 = tpu.memref_slice %arg7[%dma_start3A_200, %dma_start3A_201, %dma_start3A_202] : memref<4x200x32xf32, #tpu.memory_space<vmem>> -> memref<1x72x32xf32, #tpu.memory_space<vmem>>
      %dma_start3A_204 = tpu.memref_squeeze %dma_start3A_203 : memref<1x72x32xf32, #tpu.memory_space<vmem>> -> memref<72x32xf32, #tpu.memory_space<vmem>>
      %dma_start3A_205 = arith.constant 728 : i32
      %dma_start3A_206 = tpu.memref_slice %arg5[%dma_start3A_205] : memref<800xi32, #tpu.memory_space<vmem>> -> memref<72xi32, #tpu.memory_space<vmem>>
      %dma_start3A_207 = arith.constant 0 : i32
      %dma_start3A_208 = arith.constant 0 : i32
      %dma_start3A_209 = tpu.memref_slice %arg3[%dma_start3A_207, %dma_start3A_208] : memref<1000000x32xf32, #tpu.memory_space<hbm>> -> memref<1000000x32xf32, #tpu.memory_space<hbm>>
      tpu.enqueue_indirect_dma source(%dma_start3A_209 : memref<1000000x32xf32, #tpu.memory_space<hbm>>) target(%dma_start3A_204 : memref<72x32xf32, #tpu.memory_space<vmem>>) offsets(%dma_start3A_206 : memref<72xi32, #tpu.memory_space<vmem>>) semaphore(%arg11 : memref<!tpu.dma_semaphore, #tpu.memory_space<semaphore_mem>>)
      %ge3A = arith.constant 1 : i32
      %ge3A_210 = arith.cmpi sge, %add3A_120, %ge3A : i32
      %convert_element_type3A_211 = arith.extui %ge3A_210 : i1 to i32
      %cond3A_212 = arith.constant 0 : i32
      %cond3A_213 = arith.cmpi ne, %convert_element_type3A_211, %cond3A_212 : i32
      scf.if %cond3A_213 {
        %dma_wait3A_328 = arith.constant 0 : i32
        %dma_wait3A_329 = arith.constant 0 : i32
        %dma_wait3A_330 = arith.constant 0 : i32
        %dma_wait3A_331 = tpu.memref_slice %arg8[%dma_wait3A_328, %dma_wait3A_329, %dma_wait3A_330] : memref<4x200x32xf32, #tpu.memory_space<vmem>> -> memref<1x128x32xf32, #tpu.memory_space<vmem>>
        %dma_wait3A_332 = tpu.memref_squeeze %dma_wait3A_331 : memref<1x128x32xf32, #tpu.memory_space<vmem>> -> memref<128x32xf32, #tpu.memory_space<vmem>>
        %dma_wait3A_333 = arith.constant 0 : i32
        %dma_wait3A_334 = tpu.memref_slice %arg6[%dma_wait3A_333] : memref<800xi32, #tpu.memory_space<vmem>> -> memref<128xi32, #tpu.memory_space<vmem>>
        %dma_wait3A_335 = arith.constant 0 : i32
        %dma_wait3A_336 = arith.constant 0 : i32
        %dma_wait3A_337 = tpu.memref_slice %arg3[%dma_wait3A_335, %dma_wait3A_336] : memref<1000000x32xf32, #tpu.memory_space<hbm>> -> memref<1000000x32xf32, #tpu.memory_space<hbm>>
        tpu.wait_indirect_dma semaphore(%arg12 : memref<!tpu.dma_semaphore, #tpu.memory_space<semaphore_mem>>) src(%dma_wait3A_337 : memref<1000000x32xf32, #tpu.memory_space<hbm>>) dst(%dma_wait3A_332 : memref<128x32xf32, #tpu.memory_space<vmem>>)
        %dma_wait3A_338 = arith.constant 0 : i32
        %dma_wait3A_339 = arith.constant 128 : i32
        %dma_wait3A_340 = arith.constant 0 : i32
        %dma_wait3A_341 = tpu.memref_slice %arg8[%dma_wait3A_338, %dma_wait3A_339, %dma_wait3A_340] : memref<4x200x32xf32, #tpu.memory_space<vmem>> -> memref<1x72x32xf32, #tpu.memory_space<vmem>>
        %dma_wait3A_342 = tpu.memref_squeeze %dma_wait3A_341 : memref<1x72x32xf32, #tpu.memory_space<vmem>> -> memref<72x32xf32, #tpu.memory_space<vmem>>
        %dma_wait3A_343 = arith.constant 128 : i32
        %dma_wait3A_344 = tpu.memref_slice %arg6[%dma_wait3A_343] : memref<800xi32, #tpu.memory_space<vmem>> -> memref<72xi32, #tpu.memory_space<vmem>>
        %dma_wait3A_345 = arith.constant 0 : i32
        %dma_wait3A_346 = arith.constant 0 : i32
        %dma_wait3A_347 = tpu.memref_slice %arg3[%dma_wait3A_345, %dma_wait3A_346] : memref<1000000x32xf32, #tpu.memory_space<hbm>> -> memref<1000000x32xf32, #tpu.memory_space<hbm>>
        tpu.wait_indirect_dma semaphore(%arg12 : memref<!tpu.dma_semaphore, #tpu.memory_space<semaphore_mem>>) src(%dma_wait3A_347 : memref<1000000x32xf32, #tpu.memory_space<hbm>>) dst(%dma_wait3A_342 : memref<72x32xf32, #tpu.memory_space<vmem>>)
        %dma_wait3A_348 = arith.constant 1 : i32
        %dma_wait3A_349 = arith.constant 0 : i32
        %dma_wait3A_350 = arith.constant 0 : i32
        %dma_wait3A_351 = tpu.memref_slice %arg8[%dma_wait3A_348, %dma_wait3A_349, %dma_wait3A_350] : memref<4x200x32xf32, #tpu.memory_space<vmem>> -> memref<1x128x32xf32, #tpu.memory_space<vmem>>
        %dma_wait3A_352 = tpu.memref_squeeze %dma_wait3A_351 : memref<1x128x32xf32, #tpu.memory_space<vmem>> -> memref<128x32xf32, #tpu.memory_space<vmem>>
        %dma_wait3A_353 = arith.constant 200 : i32
        %dma_wait3A_354 = tpu.memref_slice %arg6[%dma_wait3A_353] : memref<800xi32, #tpu.memory_space<vmem>> -> memref<128xi32, #tpu.memory_space<vmem>>
        %dma_wait3A_355 = arith.constant 0 : i32
        %dma_wait3A_356 = arith.constant 0 : i32
        %dma_wait3A_357 = tpu.memref_slice %arg3[%dma_wait3A_355, %dma_wait3A_356] : memref<1000000x32xf32, #tpu.memory_space<hbm>> -> memref<1000000x32xf32, #tpu.memory_space<hbm>>
        tpu.wait_indirect_dma semaphore(%arg12 : memref<!tpu.dma_semaphore, #tpu.memory_space<semaphore_mem>>) src(%dma_wait3A_357 : memref<1000000x32xf32, #tpu.memory_space<hbm>>) dst(%dma_wait3A_352 : memref<128x32xf32, #tpu.memory_space<vmem>>)
        %dma_wait3A_358 = arith.constant 1 : i32
        %dma_wait3A_359 = arith.constant 128 : i32
        %dma_wait3A_360 = arith.constant 0 : i32
        %dma_wait3A_361 = tpu.memref_slice %arg8[%dma_wait3A_358, %dma_wait3A_359, %dma_wait3A_360] : memref<4x200x32xf32, #tpu.memory_space<vmem>> -> memref<1x72x32xf32, #tpu.memory_space<vmem>>
        %dma_wait3A_362 = tpu.memref_squeeze %dma_wait3A_361 : memref<1x72x32xf32, #tpu.memory_space<vmem>> -> memref<72x32xf32, #tpu.memory_space<vmem>>
        %dma_wait3A_363 = arith.constant 328 : i32
        %dma_wait3A_364 = tpu.memref_slice %arg6[%dma_wait3A_363] : memref<800xi32, #tpu.memory_space<vmem>> -> memref<72xi32, #tpu.memory_space<vmem>>
        %dma_wait3A_365 = arith.constant 0 : i32
        %dma_wait3A_366 = arith.constant 0 : i32
        %dma_wait3A_367 = tpu.memref_slice %arg3[%dma_wait3A_365, %dma_wait3A_366] : memref<1000000x32xf32, #tpu.memory_space<hbm>> -> memref<1000000x32xf32, #tpu.memory_space<hbm>>
        tpu.wait_indirect_dma semaphore(%arg12 : memref<!tpu.dma_semaphore, #tpu.memory_space<semaphore_mem>>) src(%dma_wait3A_367 : memref<1000000x32xf32, #tpu.memory_space<hbm>>) dst(%dma_wait3A_362 : memref<72x32xf32, #tpu.memory_space<vmem>>)
        %dma_wait3A_368 = arith.constant 2 : i32
        %dma_wait3A_369 = arith.constant 0 : i32
        %dma_wait3A_370 = arith.constant 0 : i32
        %dma_wait3A_371 = tpu.memref_slice %arg8[%dma_wait3A_368, %dma_wait3A_369, %dma_wait3A_370] : memref<4x200x32xf32, #tpu.memory_space<vmem>> -> memref<1x128x32xf32, #tpu.memory_space<vmem>>
        %dma_wait3A_372 = tpu.memref_squeeze %dma_wait3A_371 : memref<1x128x32xf32, #tpu.memory_space<vmem>> -> memref<128x32xf32, #tpu.memory_space<vmem>>
        %dma_wait3A_373 = arith.constant 400 : i32
        %dma_wait3A_374 = tpu.memref_slice %arg6[%dma_wait3A_373] : memref<800xi32, #tpu.memory_space<vmem>> -> memref<128xi32, #tpu.memory_space<vmem>>
        %dma_wait3A_375 = arith.constant 0 : i32
        %dma_wait3A_376 = arith.constant 0 : i32
        %dma_wait3A_377 = tpu.memref_slice %arg3[%dma_wait3A_375, %dma_wait3A_376] : memref<1000000x32xf32, #tpu.memory_space<hbm>> -> memref<1000000x32xf32, #tpu.memory_space<hbm>>
        tpu.wait_indirect_dma semaphore(%arg12 : memref<!tpu.dma_semaphore, #tpu.memory_space<semaphore_mem>>) src(%dma_wait3A_377 : memref<1000000x32xf32, #tpu.memory_space<hbm>>) dst(%dma_wait3A_372 : memref<128x32xf32, #tpu.memory_space<vmem>>)
        %dma_wait3A_378 = arith.constant 2 : i32
        %dma_wait3A_379 = arith.constant 128 : i32
        %dma_wait3A_380 = arith.constant 0 : i32
        %dma_wait3A_381 = tpu.memref_slice %arg8[%dma_wait3A_378, %dma_wait3A_379, %dma_wait3A_380] : memref<4x200x32xf32, #tpu.memory_space<vmem>> -> memref<1x72x32xf32, #tpu.memory_space<vmem>>
        %dma_wait3A_382 = tpu.memref_squeeze %dma_wait3A_381 : memref<1x72x32xf32, #tpu.memory_space<vmem>> -> memref<72x32xf32, #tpu.memory_space<vmem>>
        %dma_wait3A_383 = arith.constant 528 : i32
        %dma_wait3A_384 = tpu.memref_slice %arg6[%dma_wait3A_383] : memref<800xi32, #tpu.memory_space<vmem>> -> memref<72xi32, #tpu.memory_space<vmem>>
        %dma_wait3A_385 = arith.constant 0 : i32
        %dma_wait3A_386 = arith.constant 0 : i32
        %dma_wait3A_387 = tpu.memref_slice %arg3[%dma_wait3A_385, %dma_wait3A_386] : memref<1000000x32xf32, #tpu.memory_space<hbm>> -> memref<1000000x32xf32, #tpu.memory_space<hbm>>
        tpu.wait_indirect_dma semaphore(%arg12 : memref<!tpu.dma_semaphore, #tpu.memory_space<semaphore_mem>>) src(%dma_wait3A_387 : memref<1000000x32xf32, #tpu.memory_space<hbm>>) dst(%dma_wait3A_382 : memref<72x32xf32, #tpu.memory_space<vmem>>)
        %dma_wait3A_388 = arith.constant 3 : i32
        %dma_wait3A_389 = arith.constant 0 : i32
        %dma_wait3A_390 = arith.constant 0 : i32
        %dma_wait3A_391 = tpu.memref_slice %arg8[%dma_wait3A_388, %dma_wait3A_389, %dma_wait3A_390] : memref<4x200x32xf32, #tpu.memory_space<vmem>> -> memref<1x128x32xf32, #tpu.memory_space<vmem>>
        %dma_wait3A_392 = tpu.memref_squeeze %dma_wait3A_391 : memref<1x128x32xf32, #tpu.memory_space<vmem>> -> memref<128x32xf32, #tpu.memory_space<vmem>>
        %dma_wait3A_393 = arith.constant 600 : i32
        %dma_wait3A_394 = tpu.memref_slice %arg6[%dma_wait3A_393] : memref<800xi32, #tpu.memory_space<vmem>> -> memref<128xi32, #tpu.memory_space<vmem>>
        %dma_wait3A_395 = arith.constant 0 : i32
        %dma_wait3A_396 = arith.constant 0 : i32
        %dma_wait3A_397 = tpu.memref_slice %arg3[%dma_wait3A_395, %dma_wait3A_396] : memref<1000000x32xf32, #tpu.memory_space<hbm>> -> memref<1000000x32xf32, #tpu.memory_space<hbm>>
        tpu.wait_indirect_dma semaphore(%arg12 : memref<!tpu.dma_semaphore, #tpu.memory_space<semaphore_mem>>) src(%dma_wait3A_397 : memref<1000000x32xf32, #tpu.memory_space<hbm>>) dst(%dma_wait3A_392 : memref<128x32xf32, #tpu.memory_space<vmem>>)
        %dma_wait3A_398 = arith.constant 3 : i32
        %dma_wait3A_399 = arith.constant 128 : i32
        %dma_wait3A_400 = arith.constant 0 : i32
        %dma_wait3A_401 = tpu.memref_slice %arg8[%dma_wait3A_398, %dma_wait3A_399, %dma_wait3A_400] : memref<4x200x32xf32, #tpu.memory_space<vmem>> -> memref<1x72x32xf32, #tpu.memory_space<vmem>>
        %dma_wait3A_402 = tpu.memref_squeeze %dma_wait3A_401 : memref<1x72x32xf32, #tpu.memory_space<vmem>> -> memref<72x32xf32, #tpu.memory_space<vmem>>
        %dma_wait3A_403 = arith.constant 728 : i32
        %dma_wait3A_404 = tpu.memref_slice %arg6[%dma_wait3A_403] : memref<800xi32, #tpu.memory_space<vmem>> -> memref<72xi32, #tpu.memory_space<vmem>>
        %dma_wait3A_405 = arith.constant 0 : i32
        %dma_wait3A_406 = arith.constant 0 : i32
        %dma_wait3A_407 = tpu.memref_slice %arg3[%dma_wait3A_405, %dma_wait3A_406] : memref<1000000x32xf32, #tpu.memory_space<hbm>> -> memref<1000000x32xf32, #tpu.memory_space<hbm>>
        tpu.wait_indirect_dma semaphore(%arg12 : memref<!tpu.dma_semaphore, #tpu.memory_space<semaphore_mem>>) src(%dma_wait3A_407 : memref<1000000x32xf32, #tpu.memory_space<hbm>>) dst(%dma_wait3A_402 : memref<72x32xf32, #tpu.memory_space<vmem>>)
        %sub3A = arith.constant 1 : i32
        %sub3A_408 = arith.subi %add3A_120, %sub3A : i32
        %mul3A_409 = arith.constant 4 : i32
        %mul3A_410 = arith.muli %sub3A_408, %mul3A_409 : i32
        %add3A_411 = arith.addi %mul3A_2, %mul3A_410 : i32
        %dma_start3A_412 = arith.constant 0 : i32
        %dma_start3A_413 = arith.constant 0 : i32
        %dma_start3A_414 = tpu.memref_slice %arg4[%add3A_411, %dma_start3A_412, %dma_start3A_413] : memref<16384x200x32xf32, #tpu.memory_space<hbm>> -> memref<4x200x32xf32, #tpu.memory_space<hbm>>
        %dma_start3A_415 = arith.constant 0 : i32
        %dma_start3A_416 = arith.constant 0 : i32
        %dma_start3A_417 = tpu.memref_slice %arg4[%add3A_411, %dma_start3A_415, %dma_start3A_416] : memref<16384x200x32xf32, #tpu.memory_space<hbm>> -> memref<4x200x32xf32, #tpu.memory_space<hbm>>
        tpu.enqueue_dma source(%arg8 : memref<4x200x32xf32, #tpu.memory_space<vmem>>) target(%dma_start3A_417 : memref<4x200x32xf32, #tpu.memory_space<hbm>>) target_semaphore(%arg14 : memref<!tpu.dma_semaphore, #tpu.memory_space<semaphore_mem>>)
      } else {
      }
      %add3A_214 = arith.constant 1 : i32
      %add3A_215 = arith.addi %add3A_120, %add3A_214 : i32
      %lt3A = arith.constant 128 : i32
      %lt3A_216 = arith.cmpi slt, %add3A_215, %lt3A : i32
      %convert_element_type3A_217 = arith.extui %lt3A_216 : i1 to i32
      %cond3A_218 = arith.constant 0 : i32
      %cond3A_219 = arith.cmpi ne, %convert_element_type3A_217, %cond3A_218 : i32
      scf.if %cond3A_219 {
        %add3A_328 = arith.constant 1 : i32
        %add3A_329 = arith.addi %add3A_120, %add3A_328 : i32
        %mul3A_330 = arith.constant 4 : i32
        %mul3A_331 = arith.muli %add3A_329, %mul3A_330 : i32
        %add3A_332 = arith.addi %mul3A_2, %mul3A_331 : i32
        %mul3A_333 = arith.constant 200 : i32
        %mul3A_334 = arith.muli %add3A_332, %mul3A_333 : i32
        %dma_start3A_335 = tpu.memref_slice %arg2[%mul3A_334] : memref<3276800xi32, #tpu.memory_space<hbm>> -> memref<800xi32, #tpu.memory_space<hbm>>
        %dma_start3A_336 = tpu.memref_slice %arg2[%mul3A_334] : memref<3276800xi32, #tpu.memory_space<hbm>> -> memref<800xi32, #tpu.memory_space<hbm>>
        tpu.enqueue_dma source(%dma_start3A_336 : memref<800xi32, #tpu.memory_space<hbm>>) target(%arg6 : memref<800xi32, #tpu.memory_space<vmem>>) target_semaphore(%arg10 : memref<!tpu.dma_semaphore, #tpu.memory_space<semaphore_mem>>)
      } else {
      }
      %mul3A_220 = arith.constant 2 : i32
      %mul3A_221 = arith.muli %scan3A_116, %mul3A_220 : i32
      %add3A_222 = arith.constant 1 : i32
      %add3A_223 = arith.addi %mul3A_221, %add3A_222 : i32
      %mul3A_224 = arith.constant 4 : i32
      %mul3A_225 = arith.muli %add3A_223, %mul3A_224 : i32
      %add3A_226 = arith.addi %mul3A_2, %mul3A_225 : i32
      %mul3A_227 = arith.constant 200 : i32
      %mul3A_228 = arith.muli %add3A_226, %mul3A_227 : i32
      %dma_wait3A_229 = tpu.memref_slice %arg2[%mul3A_228] : memref<3276800xi32, #tpu.memory_space<hbm>> -> memref<800xi32, #tpu.memory_space<hbm>>
      %dma_wait3A_230 = tpu.memref_slice %arg2[%mul3A_228] : memref<3276800xi32, #tpu.memory_space<hbm>> -> memref<800xi32, #tpu.memory_space<hbm>>
      tpu.wait_dma2 semaphore(%arg10 : memref<!tpu.dma_semaphore, #tpu.memory_space<semaphore_mem>>) src(%dma_wait3A_230 : memref<800xi32, #tpu.memory_space<hbm>>) dst(%arg6 : memref<800xi32, #tpu.memory_space<vmem>>)
      %gt3A_231 = arith.constant 0 : i32
      %gt3A_232 = arith.cmpi sgt, %scan3A_116, %gt3A_231 : i32
      %convert_element_type3A_233 = arith.extui %gt3A_232 : i1 to i32
      %cond3A_234 = arith.constant 0 : i32
      %cond3A_235 = arith.cmpi ne, %convert_element_type3A_233, %cond3A_234 : i32
      scf.if %cond3A_235 {
        %mul3A_328 = arith.constant 4 : i32
        %mul3A_329 = arith.muli %add3A_223, %mul3A_328 : i32
        %add3A_330 = arith.addi %mul3A_2, %mul3A_329 : i32
        %dma_wait3A_331 = arith.constant 0 : i32
        %dma_wait3A_332 = arith.constant 0 : i32
        %dma_wait3A_333 = tpu.memref_slice %arg4[%add3A_330, %dma_wait3A_331, %dma_wait3A_332] : memref<16384x200x32xf32, #tpu.memory_space<hbm>> -> memref<4x200x32xf32, #tpu.memory_space<hbm>>
        %dma_wait3A_334 = arith.constant 0 : i32
        %dma_wait3A_335 = arith.constant 0 : i32
        %dma_wait3A_336 = tpu.memref_slice %arg4[%add3A_330, %dma_wait3A_334, %dma_wait3A_335] : memref<16384x200x32xf32, #tpu.memory_space<hbm>> -> memref<4x200x32xf32, #tpu.memory_space<hbm>>
        tpu.wait_dma2 semaphore(%arg14 : memref<!tpu.dma_semaphore, #tpu.memory_space<semaphore_mem>>) src(%arg8 : memref<4x200x32xf32, #tpu.memory_space<vmem>>) dst(%dma_wait3A_336 : memref<4x200x32xf32, #tpu.memory_space<hbm>>)
      } else {
      }
      %dma_start3A_236 = arith.constant 0 : i32
      %dma_start3A_237 = arith.constant 0 : i32
      %dma_start3A_238 = arith.constant 0 : i32
      %dma_start3A_239 = tpu.memref_slice %arg8[%dma_start3A_236, %dma_start3A_237, %dma_start3A_238] : memref<4x200x32xf32, #tpu.memory_space<vmem>> -> memref<1x128x32xf32, #tpu.memory_space<vmem>>
      %dma_start3A_240 = tpu.memref_squeeze %dma_start3A_239 : memref<1x128x32xf32, #tpu.memory_space<vmem>> -> memref<128x32xf32, #tpu.memory_space<vmem>>
      %dma_start3A_241 = arith.constant 0 : i32
      %dma_start3A_242 = tpu.memref_slice %arg6[%dma_start3A_241] : memref<800xi32, #tpu.memory_space<vmem>> -> memref<128xi32, #tpu.memory_space<vmem>>
      %dma_start3A_243 = arith.constant 0 : i32
      %dma_start3A_244 = arith.constant 0 : i32
      %dma_start3A_245 = tpu.memref_slice %arg3[%dma_start3A_243, %dma_start3A_244] : memref<1000000x32xf32, #tpu.memory_space<hbm>> -> memref<1000000x32xf32, #tpu.memory_space<hbm>>
      tpu.enqueue_indirect_dma source(%dma_start3A_245 : memref<1000000x32xf32, #tpu.memory_space<hbm>>) target(%dma_start3A_240 : memref<128x32xf32, #tpu.memory_space<vmem>>) offsets(%dma_start3A_242 : memref<128xi32, #tpu.memory_space<vmem>>) semaphore(%arg12 : memref<!tpu.dma_semaphore, #tpu.memory_space<semaphore_mem>>)
      %dma_start3A_246 = arith.constant 0 : i32
      %dma_start3A_247 = arith.constant 128 : i32
      %dma_start3A_248 = arith.constant 0 : i32
      %dma_start3A_249 = tpu.memref_slice %arg8[%dma_start3A_246, %dma_start3A_247, %dma_start3A_248] : memref<4x200x32xf32, #tpu.memory_space<vmem>> -> memref<1x72x32xf32, #tpu.memory_space<vmem>>
      %dma_start3A_250 = tpu.memref_squeeze %dma_start3A_249 : memref<1x72x32xf32, #tpu.memory_space<vmem>> -> memref<72x32xf32, #tpu.memory_space<vmem>>
      %dma_start3A_251 = arith.constant 128 : i32
      %dma_start3A_252 = tpu.memref_slice %arg6[%dma_start3A_251] : memref<800xi32, #tpu.memory_space<vmem>> -> memref<72xi32, #tpu.memory_space<vmem>>
      %dma_start3A_253 = arith.constant 0 : i32
      %dma_start3A_254 = arith.constant 0 : i32
      %dma_start3A_255 = tpu.memref_slice %arg3[%dma_start3A_253, %dma_start3A_254] : memref<1000000x32xf32, #tpu.memory_space<hbm>> -> memref<1000000x32xf32, #tpu.memory_space<hbm>>
      tpu.enqueue_indirect_dma source(%dma_start3A_255 : memref<1000000x32xf32, #tpu.memory_space<hbm>>) target(%dma_start3A_250 : memref<72x32xf32, #tpu.memory_space<vmem>>) offsets(%dma_start3A_252 : memref<72xi32, #tpu.memory_space<vmem>>) semaphore(%arg12 : memref<!tpu.dma_semaphore, #tpu.memory_space<semaphore_mem>>)
      %dma_start3A_256 = arith.constant 1 : i32
      %dma_start3A_257 = arith.constant 0 : i32
      %dma_start3A_258 = arith.constant 0 : i32
      %dma_start3A_259 = tpu.memref_slice %arg8[%dma_start3A_256, %dma_start3A_257, %dma_start3A_258] : memref<4x200x32xf32, #tpu.memory_space<vmem>> -> memref<1x128x32xf32, #tpu.memory_space<vmem>>
      %dma_start3A_260 = tpu.memref_squeeze %dma_start3A_259 : memref<1x128x32xf32, #tpu.memory_space<vmem>> -> memref<128x32xf32, #tpu.memory_space<vmem>>
      %dma_start3A_261 = arith.constant 200 : i32
      %dma_start3A_262 = tpu.memref_slice %arg6[%dma_start3A_261] : memref<800xi32, #tpu.memory_space<vmem>> -> memref<128xi32, #tpu.memory_space<vmem>>
      %dma_start3A_263 = arith.constant 0 : i32
      %dma_start3A_264 = arith.constant 0 : i32
      %dma_start3A_265 = tpu.memref_slice %arg3[%dma_start3A_263, %dma_start3A_264] : memref<1000000x32xf32, #tpu.memory_space<hbm>> -> memref<1000000x32xf32, #tpu.memory_space<hbm>>
      tpu.enqueue_indirect_dma source(%dma_start3A_265 : memref<1000000x32xf32, #tpu.memory_space<hbm>>) target(%dma_start3A_260 : memref<128x32xf32, #tpu.memory_space<vmem>>) offsets(%dma_start3A_262 : memref<128xi32, #tpu.memory_space<vmem>>) semaphore(%arg12 : memref<!tpu.dma_semaphore, #tpu.memory_space<semaphore_mem>>)
      %dma_start3A_266 = arith.constant 1 : i32
      %dma_start3A_267 = arith.constant 128 : i32
      %dma_start3A_268 = arith.constant 0 : i32
      %dma_start3A_269 = tpu.memref_slice %arg8[%dma_start3A_266, %dma_start3A_267, %dma_start3A_268] : memref<4x200x32xf32, #tpu.memory_space<vmem>> -> memref<1x72x32xf32, #tpu.memory_space<vmem>>
      %dma_start3A_270 = tpu.memref_squeeze %dma_start3A_269 : memref<1x72x32xf32, #tpu.memory_space<vmem>> -> memref<72x32xf32, #tpu.memory_space<vmem>>
      %dma_start3A_271 = arith.constant 328 : i32
      %dma_start3A_272 = tpu.memref_slice %arg6[%dma_start3A_271] : memref<800xi32, #tpu.memory_space<vmem>> -> memref<72xi32, #tpu.memory_space<vmem>>
      %dma_start3A_273 = arith.constant 0 : i32
      %dma_start3A_274 = arith.constant 0 : i32
      %dma_start3A_275 = tpu.memref_slice %arg3[%dma_start3A_273, %dma_start3A_274] : memref<1000000x32xf32, #tpu.memory_space<hbm>> -> memref<1000000x32xf32, #tpu.memory_space<hbm>>
      tpu.enqueue_indirect_dma source(%dma_start3A_275 : memref<1000000x32xf32, #tpu.memory_space<hbm>>) target(%dma_start3A_270 : memref<72x32xf32, #tpu.memory_space<vmem>>) offsets(%dma_start3A_272 : memref<72xi32, #tpu.memory_space<vmem>>) semaphore(%arg12 : memref<!tpu.dma_semaphore, #tpu.memory_space<semaphore_mem>>)
      %dma_start3A_276 = arith.constant 2 : i32
      %dma_start3A_277 = arith.constant 0 : i32
      %dma_start3A_278 = arith.constant 0 : i32
      %dma_start3A_279 = tpu.memref_slice %arg8[%dma_start3A_276, %dma_start3A_277, %dma_start3A_278] : memref<4x200x32xf32, #tpu.memory_space<vmem>> -> memref<1x128x32xf32, #tpu.memory_space<vmem>>
      %dma_start3A_280 = tpu.memref_squeeze %dma_start3A_279 : memref<1x128x32xf32, #tpu.memory_space<vmem>> -> memref<128x32xf32, #tpu.memory_space<vmem>>
      %dma_start3A_281 = arith.constant 400 : i32
      %dma_start3A_282 = tpu.memref_slice %arg6[%dma_start3A_281] : memref<800xi32, #tpu.memory_space<vmem>> -> memref<128xi32, #tpu.memory_space<vmem>>
      %dma_start3A_283 = arith.constant 0 : i32
      %dma_start3A_284 = arith.constant 0 : i32
      %dma_start3A_285 = tpu.memref_slice %arg3[%dma_start3A_283, %dma_start3A_284] : memref<1000000x32xf32, #tpu.memory_space<hbm>> -> memref<1000000x32xf32, #tpu.memory_space<hbm>>
      tpu.enqueue_indirect_dma source(%dma_start3A_285 : memref<1000000x32xf32, #tpu.memory_space<hbm>>) target(%dma_start3A_280 : memref<128x32xf32, #tpu.memory_space<vmem>>) offsets(%dma_start3A_282 : memref<128xi32, #tpu.memory_space<vmem>>) semaphore(%arg12 : memref<!tpu.dma_semaphore, #tpu.memory_space<semaphore_mem>>)
      %dma_start3A_286 = arith.constant 2 : i32
      %dma_start3A_287 = arith.constant 128 : i32
      %dma_start3A_288 = arith.constant 0 : i32
      %dma_start3A_289 = tpu.memref_slice %arg8[%dma_start3A_286, %dma_start3A_287, %dma_start3A_288] : memref<4x200x32xf32, #tpu.memory_space<vmem>> -> memref<1x72x32xf32, #tpu.memory_space<vmem>>
      %dma_start3A_290 = tpu.memref_squeeze %dma_start3A_289 : memref<1x72x32xf32, #tpu.memory_space<vmem>> -> memref<72x32xf32, #tpu.memory_space<vmem>>
      %dma_start3A_291 = arith.constant 528 : i32
      %dma_start3A_292 = tpu.memref_slice %arg6[%dma_start3A_291] : memref<800xi32, #tpu.memory_space<vmem>> -> memref<72xi32, #tpu.memory_space<vmem>>
      %dma_start3A_293 = arith.constant 0 : i32
      %dma_start3A_294 = arith.constant 0 : i32
      %dma_start3A_295 = tpu.memref_slice %arg3[%dma_start3A_293, %dma_start3A_294] : memref<1000000x32xf32, #tpu.memory_space<hbm>> -> memref<1000000x32xf32, #tpu.memory_space<hbm>>
      tpu.enqueue_indirect_dma source(%dma_start3A_295 : memref<1000000x32xf32, #tpu.memory_space<hbm>>) target(%dma_start3A_290 : memref<72x32xf32, #tpu.memory_space<vmem>>) offsets(%dma_start3A_292 : memref<72xi32, #tpu.memory_space<vmem>>) semaphore(%arg12 : memref<!tpu.dma_semaphore, #tpu.memory_space<semaphore_mem>>)
      %dma_start3A_296 = arith.constant 3 : i32
      %dma_start3A_297 = arith.constant 0 : i32
      %dma_start3A_298 = arith.constant 0 : i32
      %dma_start3A_299 = tpu.memref_slice %arg8[%dma_start3A_296, %dma_start3A_297, %dma_start3A_298] : memref<4x200x32xf32, #tpu.memory_space<vmem>> -> memref<1x128x32xf32, #tpu.memory_space<vmem>>
      %dma_start3A_300 = tpu.memref_squeeze %dma_start3A_299 : memref<1x128x32xf32, #tpu.memory_space<vmem>> -> memref<128x32xf32, #tpu.memory_space<vmem>>
      %dma_start3A_301 = arith.constant 600 : i32
      %dma_start3A_302 = tpu.memref_slice %arg6[%dma_start3A_301] : memref<800xi32, #tpu.memory_space<vmem>> -> memref<128xi32, #tpu.memory_space<vmem>>
      %dma_start3A_303 = arith.constant 0 : i32
      %dma_start3A_304 = arith.constant 0 : i32
      %dma_start3A_305 = tpu.memref_slice %arg3[%dma_start3A_303, %dma_start3A_304] : memref<1000000x32xf32, #tpu.memory_space<hbm>> -> memref<1000000x32xf32, #tpu.memory_space<hbm>>
      tpu.enqueue_indirect_dma source(%dma_start3A_305 : memref<1000000x32xf32, #tpu.memory_space<hbm>>) target(%dma_start3A_300 : memref<128x32xf32, #tpu.memory_space<vmem>>) offsets(%dma_start3A_302 : memref<128xi32, #tpu.memory_space<vmem>>) semaphore(%arg12 : memref<!tpu.dma_semaphore, #tpu.memory_space<semaphore_mem>>)
      %dma_start3A_306 = arith.constant 3 : i32
      %dma_start3A_307 = arith.constant 128 : i32
      %dma_start3A_308 = arith.constant 0 : i32
      %dma_start3A_309 = tpu.memref_slice %arg8[%dma_start3A_306, %dma_start3A_307, %dma_start3A_308] : memref<4x200x32xf32, #tpu.memory_space<vmem>> -> memref<1x72x32xf32, #tpu.memory_space<vmem>>
      %dma_start3A_310 = tpu.memref_squeeze %dma_start3A_309 : memref<1x72x32xf32, #tpu.memory_space<vmem>> -> memref<72x32xf32, #tpu.memory_space<vmem>>
      %dma_start3A_311 = arith.constant 728 : i32
      %dma_start3A_312 = tpu.memref_slice %arg6[%dma_start3A_311] : memref<800xi32, #tpu.memory_space<vmem>> -> memref<72xi32, #tpu.memory_space<vmem>>
      %dma_start3A_313 = arith.constant 0 : i32
      %dma_start3A_314 = arith.constant 0 : i32
      %dma_start3A_315 = tpu.memref_slice %arg3[%dma_start3A_313, %dma_start3A_314] : memref<1000000x32xf32, #tpu.memory_space<hbm>> -> memref<1000000x32xf32, #tpu.memory_space<hbm>>
      tpu.enqueue_indirect_dma source(%dma_start3A_315 : memref<1000000x32xf32, #tpu.memory_space<hbm>>) target(%dma_start3A_310 : memref<72x32xf32, #tpu.memory_space<vmem>>) offsets(%dma_start3A_312 : memref<72xi32, #tpu.memory_space<vmem>>) semaphore(%arg12 : memref<!tpu.dma_semaphore, #tpu.memory_space<semaphore_mem>>)
      %ge3A_316 = arith.constant 1 : i32
      %ge3A_317 = arith.cmpi sge, %add3A_223, %ge3A_316 : i32
      %convert_element_type3A_318 = arith.extui %ge3A_317 : i1 to i32
      %cond3A_319 = arith.constant 0 : i32
      %cond3A_320 = arith.cmpi ne, %convert_element_type3A_318, %cond3A_319 : i32
      scf.if %cond3A_320 {
        %dma_wait3A_328 = arith.constant 0 : i32
        %dma_wait3A_329 = arith.constant 0 : i32
        %dma_wait3A_330 = arith.constant 0 : i32
        %dma_wait3A_331 = tpu.memref_slice %arg7[%dma_wait3A_328, %dma_wait3A_329, %dma_wait3A_330] : memref<4x200x32xf32, #tpu.memory_space<vmem>> -> memref<1x128x32xf32, #tpu.memory_space<vmem>>
        %dma_wait3A_332 = tpu.memref_squeeze %dma_wait3A_331 : memref<1x128x32xf32, #tpu.memory_space<vmem>> -> memref<128x32xf32, #tpu.memory_space<vmem>>
        %dma_wait3A_333 = arith.constant 0 : i32
        %dma_wait3A_334 = tpu.memref_slice %arg5[%dma_wait3A_333] : memref<800xi32, #tpu.memory_space<vmem>> -> memref<128xi32, #tpu.memory_space<vmem>>
        %dma_wait3A_335 = arith.constant 0 : i32
        %dma_wait3A_336 = arith.constant 0 : i32
        %dma_wait3A_337 = tpu.memref_slice %arg3[%dma_wait3A_335, %dma_wait3A_336] : memref<1000000x32xf32, #tpu.memory_space<hbm>> -> memref<1000000x32xf32, #tpu.memory_space<hbm>>
        tpu.wait_indirect_dma semaphore(%arg11 : memref<!tpu.dma_semaphore, #tpu.memory_space<semaphore_mem>>) src(%dma_wait3A_337 : memref<1000000x32xf32, #tpu.memory_space<hbm>>) dst(%dma_wait3A_332 : memref<128x32xf32, #tpu.memory_space<vmem>>)
        %dma_wait3A_338 = arith.constant 0 : i32
        %dma_wait3A_339 = arith.constant 128 : i32
        %dma_wait3A_340 = arith.constant 0 : i32
        %dma_wait3A_341 = tpu.memref_slice %arg7[%dma_wait3A_338, %dma_wait3A_339, %dma_wait3A_340] : memref<4x200x32xf32, #tpu.memory_space<vmem>> -> memref<1x72x32xf32, #tpu.memory_space<vmem>>
        %dma_wait3A_342 = tpu.memref_squeeze %dma_wait3A_341 : memref<1x72x32xf32, #tpu.memory_space<vmem>> -> memref<72x32xf32, #tpu.memory_space<vmem>>
        %dma_wait3A_343 = arith.constant 128 : i32
        %dma_wait3A_344 = tpu.memref_slice %arg5[%dma_wait3A_343] : memref<800xi32, #tpu.memory_space<vmem>> -> memref<72xi32, #tpu.memory_space<vmem>>
        %dma_wait3A_345 = arith.constant 0 : i32
        %dma_wait3A_346 = arith.constant 0 : i32
        %dma_wait3A_347 = tpu.memref_slice %arg3[%dma_wait3A_345, %dma_wait3A_346] : memref<1000000x32xf32, #tpu.memory_space<hbm>> -> memref<1000000x32xf32, #tpu.memory_space<hbm>>
        tpu.wait_indirect_dma semaphore(%arg11 : memref<!tpu.dma_semaphore, #tpu.memory_space<semaphore_mem>>) src(%dma_wait3A_347 : memref<1000000x32xf32, #tpu.memory_space<hbm>>) dst(%dma_wait3A_342 : memref<72x32xf32, #tpu.memory_space<vmem>>)
        %dma_wait3A_348 = arith.constant 1 : i32
        %dma_wait3A_349 = arith.constant 0 : i32
        %dma_wait3A_350 = arith.constant 0 : i32
        %dma_wait3A_351 = tpu.memref_slice %arg7[%dma_wait3A_348, %dma_wait3A_349, %dma_wait3A_350] : memref<4x200x32xf32, #tpu.memory_space<vmem>> -> memref<1x128x32xf32, #tpu.memory_space<vmem>>
        %dma_wait3A_352 = tpu.memref_squeeze %dma_wait3A_351 : memref<1x128x32xf32, #tpu.memory_space<vmem>> -> memref<128x32xf32, #tpu.memory_space<vmem>>
        %dma_wait3A_353 = arith.constant 200 : i32
        %dma_wait3A_354 = tpu.memref_slice %arg5[%dma_wait3A_353] : memref<800xi32, #tpu.memory_space<vmem>> -> memref<128xi32, #tpu.memory_space<vmem>>
        %dma_wait3A_355 = arith.constant 0 : i32
        %dma_wait3A_356 = arith.constant 0 : i32
        %dma_wait3A_357 = tpu.memref_slice %arg3[%dma_wait3A_355, %dma_wait3A_356] : memref<1000000x32xf32, #tpu.memory_space<hbm>> -> memref<1000000x32xf32, #tpu.memory_space<hbm>>
        tpu.wait_indirect_dma semaphore(%arg11 : memref<!tpu.dma_semaphore, #tpu.memory_space<semaphore_mem>>) src(%dma_wait3A_357 : memref<1000000x32xf32, #tpu.memory_space<hbm>>) dst(%dma_wait3A_352 : memref<128x32xf32, #tpu.memory_space<vmem>>)
        %dma_wait3A_358 = arith.constant 1 : i32
        %dma_wait3A_359 = arith.constant 128 : i32
        %dma_wait3A_360 = arith.constant 0 : i32
        %dma_wait3A_361 = tpu.memref_slice %arg7[%dma_wait3A_358, %dma_wait3A_359, %dma_wait3A_360] : memref<4x200x32xf32, #tpu.memory_space<vmem>> -> memref<1x72x32xf32, #tpu.memory_space<vmem>>
        %dma_wait3A_362 = tpu.memref_squeeze %dma_wait3A_361 : memref<1x72x32xf32, #tpu.memory_space<vmem>> -> memref<72x32xf32, #tpu.memory_space<vmem>>
        %dma_wait3A_363 = arith.constant 328 : i32
        %dma_wait3A_364 = tpu.memref_slice %arg5[%dma_wait3A_363] : memref<800xi32, #tpu.memory_space<vmem>> -> memref<72xi32, #tpu.memory_space<vmem>>
        %dma_wait3A_365 = arith.constant 0 : i32
        %dma_wait3A_366 = arith.constant 0 : i32
        %dma_wait3A_367 = tpu.memref_slice %arg3[%dma_wait3A_365, %dma_wait3A_366] : memref<1000000x32xf32, #tpu.memory_space<hbm>> -> memref<1000000x32xf32, #tpu.memory_space<hbm>>
        tpu.wait_indirect_dma semaphore(%arg11 : memref<!tpu.dma_semaphore, #tpu.memory_space<semaphore_mem>>) src(%dma_wait3A_367 : memref<1000000x32xf32, #tpu.memory_space<hbm>>) dst(%dma_wait3A_362 : memref<72x32xf32, #tpu.memory_space<vmem>>)
        %dma_wait3A_368 = arith.constant 2 : i32
        %dma_wait3A_369 = arith.constant 0 : i32
        %dma_wait3A_370 = arith.constant 0 : i32
        %dma_wait3A_371 = tpu.memref_slice %arg7[%dma_wait3A_368, %dma_wait3A_369, %dma_wait3A_370] : memref<4x200x32xf32, #tpu.memory_space<vmem>> -> memref<1x128x32xf32, #tpu.memory_space<vmem>>
        %dma_wait3A_372 = tpu.memref_squeeze %dma_wait3A_371 : memref<1x128x32xf32, #tpu.memory_space<vmem>> -> memref<128x32xf32, #tpu.memory_space<vmem>>
        %dma_wait3A_373 = arith.constant 400 : i32
        %dma_wait3A_374 = tpu.memref_slice %arg5[%dma_wait3A_373] : memref<800xi32, #tpu.memory_space<vmem>> -> memref<128xi32, #tpu.memory_space<vmem>>
        %dma_wait3A_375 = arith.constant 0 : i32
        %dma_wait3A_376 = arith.constant 0 : i32
        %dma_wait3A_377 = tpu.memref_slice %arg3[%dma_wait3A_375, %dma_wait3A_376] : memref<1000000x32xf32, #tpu.memory_space<hbm>> -> memref<1000000x32xf32, #tpu.memory_space<hbm>>
        tpu.wait_indirect_dma semaphore(%arg11 : memref<!tpu.dma_semaphore, #tpu.memory_space<semaphore_mem>>) src(%dma_wait3A_377 : memref<1000000x32xf32, #tpu.memory_space<hbm>>) dst(%dma_wait3A_372 : memref<128x32xf32, #tpu.memory_space<vmem>>)
        %dma_wait3A_378 = arith.constant 2 : i32
        %dma_wait3A_379 = arith.constant 128 : i32
        %dma_wait3A_380 = arith.constant 0 : i32
        %dma_wait3A_381 = tpu.memref_slice %arg7[%dma_wait3A_378, %dma_wait3A_379, %dma_wait3A_380] : memref<4x200x32xf32, #tpu.memory_space<vmem>> -> memref<1x72x32xf32, #tpu.memory_space<vmem>>
        %dma_wait3A_382 = tpu.memref_squeeze %dma_wait3A_381 : memref<1x72x32xf32, #tpu.memory_space<vmem>> -> memref<72x32xf32, #tpu.memory_space<vmem>>
        %dma_wait3A_383 = arith.constant 528 : i32
        %dma_wait3A_384 = tpu.memref_slice %arg5[%dma_wait3A_383] : memref<800xi32, #tpu.memory_space<vmem>> -> memref<72xi32, #tpu.memory_space<vmem>>
        %dma_wait3A_385 = arith.constant 0 : i32
        %dma_wait3A_386 = arith.constant 0 : i32
        %dma_wait3A_387 = tpu.memref_slice %arg3[%dma_wait3A_385, %dma_wait3A_386] : memref<1000000x32xf32, #tpu.memory_space<hbm>> -> memref<1000000x32xf32, #tpu.memory_space<hbm>>
        tpu.wait_indirect_dma semaphore(%arg11 : memref<!tpu.dma_semaphore, #tpu.memory_space<semaphore_mem>>) src(%dma_wait3A_387 : memref<1000000x32xf32, #tpu.memory_space<hbm>>) dst(%dma_wait3A_382 : memref<72x32xf32, #tpu.memory_space<vmem>>)
        %dma_wait3A_388 = arith.constant 3 : i32
        %dma_wait3A_389 = arith.constant 0 : i32
        %dma_wait3A_390 = arith.constant 0 : i32
        %dma_wait3A_391 = tpu.memref_slice %arg7[%dma_wait3A_388, %dma_wait3A_389, %dma_wait3A_390] : memref<4x200x32xf32, #tpu.memory_space<vmem>> -> memref<1x128x32xf32, #tpu.memory_space<vmem>>
        %dma_wait3A_392 = tpu.memref_squeeze %dma_wait3A_391 : memref<1x128x32xf32, #tpu.memory_space<vmem>> -> memref<128x32xf32, #tpu.memory_space<vmem>>
        %dma_wait3A_393 = arith.constant 600 : i32
        %dma_wait3A_394 = tpu.memref_slice %arg5[%dma_wait3A_393] : memref<800xi32, #tpu.memory_space<vmem>> -> memref<128xi32, #tpu.memory_space<vmem>>
        %dma_wait3A_395 = arith.constant 0 : i32
        %dma_wait3A_396 = arith.constant 0 : i32
        %dma_wait3A_397 = tpu.memref_slice %arg3[%dma_wait3A_395, %dma_wait3A_396] : memref<1000000x32xf32, #tpu.memory_space<hbm>> -> memref<1000000x32xf32, #tpu.memory_space<hbm>>
        tpu.wait_indirect_dma semaphore(%arg11 : memref<!tpu.dma_semaphore, #tpu.memory_space<semaphore_mem>>) src(%dma_wait3A_397 : memref<1000000x32xf32, #tpu.memory_space<hbm>>) dst(%dma_wait3A_392 : memref<128x32xf32, #tpu.memory_space<vmem>>)
        %dma_wait3A_398 = arith.constant 3 : i32
        %dma_wait3A_399 = arith.constant 128 : i32
        %dma_wait3A_400 = arith.constant 0 : i32
        %dma_wait3A_401 = tpu.memref_slice %arg7[%dma_wait3A_398, %dma_wait3A_399, %dma_wait3A_400] : memref<4x200x32xf32, #tpu.memory_space<vmem>> -> memref<1x72x32xf32, #tpu.memory_space<vmem>>
        %dma_wait3A_402 = tpu.memref_squeeze %dma_wait3A_401 : memref<1x72x32xf32, #tpu.memory_space<vmem>> -> memref<72x32xf32, #tpu.memory_space<vmem>>
        %dma_wait3A_403 = arith.constant 728 : i32
        %dma_wait3A_404 = tpu.memref_slice %arg5[%dma_wait3A_403] : memref<800xi32, #tpu.memory_space<vmem>> -> memref<72xi32, #tpu.memory_space<vmem>>
        %dma_wait3A_405 = arith.constant 0 : i32
        %dma_wait3A_406 = arith.constant 0 : i32
        %dma_wait3A_407 = tpu.memref_slice %arg3[%dma_wait3A_405, %dma_wait3A_406] : memref<1000000x32xf32, #tpu.memory_space<hbm>> -> memref<1000000x32xf32, #tpu.memory_space<hbm>>
        tpu.wait_indirect_dma semaphore(%arg11 : memref<!tpu.dma_semaphore, #tpu.memory_space<semaphore_mem>>) src(%dma_wait3A_407 : memref<1000000x32xf32, #tpu.memory_space<hbm>>) dst(%dma_wait3A_402 : memref<72x32xf32, #tpu.memory_space<vmem>>)
        %sub3A = arith.constant 1 : i32
        %sub3A_408 = arith.subi %add3A_223, %sub3A : i32
        %mul3A_409 = arith.constant 4 : i32
        %mul3A_410 = arith.muli %sub3A_408, %mul3A_409 : i32
        %add3A_411 = arith.addi %mul3A_2, %mul3A_410 : i32
        %dma_start3A_412 = arith.constant 0 : i32
        %dma_start3A_413 = arith.constant 0 : i32
        %dma_start3A_414 = tpu.memref_slice %arg4[%add3A_411, %dma_start3A_412, %dma_start3A_413] : memref<16384x200x32xf32, #tpu.memory_space<hbm>> -> memref<4x200x32xf32, #tpu.memory_space<hbm>>
        %dma_start3A_415 = arith.constant 0 : i32
        %dma_start3A_416 = arith.constant 0 : i32
        %dma_start3A_417 = tpu.memref_slice %arg4[%add3A_411, %dma_start3A_415, %dma_start3A_416] : memref<16384x200x32xf32, #tpu.memory_space<hbm>> -> memref<4x200x32xf32, #tpu.memory_space<hbm>>
        tpu.enqueue_dma source(%arg7 : memref<4x200x32xf32, #tpu.memory_space<vmem>>) target(%dma_start3A_417 : memref<4x200x32xf32, #tpu.memory_space<hbm>>) target_semaphore(%arg13 : memref<!tpu.dma_semaphore, #tpu.memory_space<semaphore_mem>>)
      } else {
      }
      %add3A_321 = arith.constant 1 : i32
      %add3A_322 = arith.addi %add3A_223, %add3A_321 : i32
      %lt3A_323 = arith.constant 128 : i32
      %lt3A_324 = arith.cmpi slt, %add3A_322, %lt3A_323 : i32
      %convert_element_type3A_325 = arith.extui %lt3A_324 : i1 to i32
      %cond3A_326 = arith.constant 0 : i32
      %cond3A_327 = arith.cmpi ne, %convert_element_type3A_325, %cond3A_326 : i32
      scf.if %cond3A_327 {
        %add3A_328 = arith.constant 1 : i32
        %add3A_329 = arith.addi %add3A_223, %add3A_328 : i32
        %mul3A_330 = arith.constant 4 : i32
        %mul3A_331 = arith.muli %add3A_329, %mul3A_330 : i32
        %add3A_332 = arith.addi %mul3A_2, %mul3A_331 : i32
        %mul3A_333 = arith.constant 200 : i32
        %mul3A_334 = arith.muli %add3A_332, %mul3A_333 : i32
        %dma_start3A_335 = tpu.memref_slice %arg2[%mul3A_334] : memref<3276800xi32, #tpu.memory_space<hbm>> -> memref<800xi32, #tpu.memory_space<hbm>>
        %dma_start3A_336 = tpu.memref_slice %arg2[%mul3A_334] : memref<3276800xi32, #tpu.memory_space<hbm>> -> memref<800xi32, #tpu.memory_space<hbm>>
        tpu.enqueue_dma source(%dma_start3A_336 : memref<800xi32, #tpu.memory_space<hbm>>) target(%arg5 : memref<800xi32, #tpu.memory_space<vmem>>) target_semaphore(%arg9 : memref<!tpu.dma_semaphore, #tpu.memory_space<semaphore_mem>>)
      } else {
      }
    }
    %scan3A_12 = arith.constant 64 : i32
    %dma_wait3A = arith.constant 0 : i32
    %dma_wait3A_13 = arith.constant 0 : i32
    %dma_wait3A_14 = arith.constant 0 : i32
    %dma_wait3A_15 = tpu.memref_slice %arg8[%dma_wait3A, %dma_wait3A_13, %dma_wait3A_14] : memref<4x200x32xf32, #tpu.memory_space<vmem>> -> memref<1x128x32xf32, #tpu.memory_space<vmem>>
    %dma_wait3A_16 = tpu.memref_squeeze %dma_wait3A_15 : memref<1x128x32xf32, #tpu.memory_space<vmem>> -> memref<128x32xf32, #tpu.memory_space<vmem>>
    %dma_wait3A_17 = arith.constant 0 : i32
    %dma_wait3A_18 = tpu.memref_slice %arg6[%dma_wait3A_17] : memref<800xi32, #tpu.memory_space<vmem>> -> memref<128xi32, #tpu.memory_space<vmem>>
    %dma_wait3A_19 = arith.constant 0 : i32
    %dma_wait3A_20 = arith.constant 0 : i32
    %dma_wait3A_21 = tpu.memref_slice %arg3[%dma_wait3A_19, %dma_wait3A_20] : memref<1000000x32xf32, #tpu.memory_space<hbm>> -> memref<1000000x32xf32, #tpu.memory_space<hbm>>
    tpu.wait_indirect_dma semaphore(%arg12 : memref<!tpu.dma_semaphore, #tpu.memory_space<semaphore_mem>>) src(%dma_wait3A_21 : memref<1000000x32xf32, #tpu.memory_space<hbm>>) dst(%dma_wait3A_16 : memref<128x32xf32, #tpu.memory_space<vmem>>)
    %dma_wait3A_22 = arith.constant 0 : i32
    %dma_wait3A_23 = arith.constant 128 : i32
    %dma_wait3A_24 = arith.constant 0 : i32
    %dma_wait3A_25 = tpu.memref_slice %arg8[%dma_wait3A_22, %dma_wait3A_23, %dma_wait3A_24] : memref<4x200x32xf32, #tpu.memory_space<vmem>> -> memref<1x72x32xf32, #tpu.memory_space<vmem>>
    %dma_wait3A_26 = tpu.memref_squeeze %dma_wait3A_25 : memref<1x72x32xf32, #tpu.memory_space<vmem>> -> memref<72x32xf32, #tpu.memory_space<vmem>>
    %dma_wait3A_27 = arith.constant 128 : i32
    %dma_wait3A_28 = tpu.memref_slice %arg6[%dma_wait3A_27] : memref<800xi32, #tpu.memory_space<vmem>> -> memref<72xi32, #tpu.memory_space<vmem>>
    %dma_wait3A_29 = arith.constant 0 : i32
    %dma_wait3A_30 = arith.constant 0 : i32
    %dma_wait3A_31 = tpu.memref_slice %arg3[%dma_wait3A_29, %dma_wait3A_30] : memref<1000000x32xf32, #tpu.memory_space<hbm>> -> memref<1000000x32xf32, #tpu.memory_space<hbm>>
    tpu.wait_indirect_dma semaphore(%arg12 : memref<!tpu.dma_semaphore, #tpu.memory_space<semaphore_mem>>) src(%dma_wait3A_31 : memref<1000000x32xf32, #tpu.memory_space<hbm>>) dst(%dma_wait3A_26 : memref<72x32xf32, #tpu.memory_space<vmem>>)
    %dma_wait3A_32 = arith.constant 1 : i32
    %dma_wait3A_33 = arith.constant 0 : i32
    %dma_wait3A_34 = arith.constant 0 : i32
    %dma_wait3A_35 = tpu.memref_slice %arg8[%dma_wait3A_32, %dma_wait3A_33, %dma_wait3A_34] : memref<4x200x32xf32, #tpu.memory_space<vmem>> -> memref<1x128x32xf32, #tpu.memory_space<vmem>>
    %dma_wait3A_36 = tpu.memref_squeeze %dma_wait3A_35 : memref<1x128x32xf32, #tpu.memory_space<vmem>> -> memref<128x32xf32, #tpu.memory_space<vmem>>
    %dma_wait3A_37 = arith.constant 200 : i32
    %dma_wait3A_38 = tpu.memref_slice %arg6[%dma_wait3A_37] : memref<800xi32, #tpu.memory_space<vmem>> -> memref<128xi32, #tpu.memory_space<vmem>>
    %dma_wait3A_39 = arith.constant 0 : i32
    %dma_wait3A_40 = arith.constant 0 : i32
    %dma_wait3A_41 = tpu.memref_slice %arg3[%dma_wait3A_39, %dma_wait3A_40] : memref<1000000x32xf32, #tpu.memory_space<hbm>> -> memref<1000000x32xf32, #tpu.memory_space<hbm>>
    tpu.wait_indirect_dma semaphore(%arg12 : memref<!tpu.dma_semaphore, #tpu.memory_space<semaphore_mem>>) src(%dma_wait3A_41 : memref<1000000x32xf32, #tpu.memory_space<hbm>>) dst(%dma_wait3A_36 : memref<128x32xf32, #tpu.memory_space<vmem>>)
    %dma_wait3A_42 = arith.constant 1 : i32
    %dma_wait3A_43 = arith.constant 128 : i32
    %dma_wait3A_44 = arith.constant 0 : i32
    %dma_wait3A_45 = tpu.memref_slice %arg8[%dma_wait3A_42, %dma_wait3A_43, %dma_wait3A_44] : memref<4x200x32xf32, #tpu.memory_space<vmem>> -> memref<1x72x32xf32, #tpu.memory_space<vmem>>
    %dma_wait3A_46 = tpu.memref_squeeze %dma_wait3A_45 : memref<1x72x32xf32, #tpu.memory_space<vmem>> -> memref<72x32xf32, #tpu.memory_space<vmem>>
    %dma_wait3A_47 = arith.constant 328 : i32
    %dma_wait3A_48 = tpu.memref_slice %arg6[%dma_wait3A_47] : memref<800xi32, #tpu.memory_space<vmem>> -> memref<72xi32, #tpu.memory_space<vmem>>
    %dma_wait3A_49 = arith.constant 0 : i32
    %dma_wait3A_50 = arith.constant 0 : i32
    %dma_wait3A_51 = tpu.memref_slice %arg3[%dma_wait3A_49, %dma_wait3A_50] : memref<1000000x32xf32, #tpu.memory_space<hbm>> -> memref<1000000x32xf32, #tpu.memory_space<hbm>>
    tpu.wait_indirect_dma semaphore(%arg12 : memref<!tpu.dma_semaphore, #tpu.memory_space<semaphore_mem>>) src(%dma_wait3A_51 : memref<1000000x32xf32, #tpu.memory_space<hbm>>) dst(%dma_wait3A_46 : memref<72x32xf32, #tpu.memory_space<vmem>>)
    %dma_wait3A_52 = arith.constant 2 : i32
    %dma_wait3A_53 = arith.constant 0 : i32
    %dma_wait3A_54 = arith.constant 0 : i32
    %dma_wait3A_55 = tpu.memref_slice %arg8[%dma_wait3A_52, %dma_wait3A_53, %dma_wait3A_54] : memref<4x200x32xf32, #tpu.memory_space<vmem>> -> memref<1x128x32xf32, #tpu.memory_space<vmem>>
    %dma_wait3A_56 = tpu.memref_squeeze %dma_wait3A_55 : memref<1x128x32xf32, #tpu.memory_space<vmem>> -> memref<128x32xf32, #tpu.memory_space<vmem>>
    %dma_wait3A_57 = arith.constant 400 : i32
    %dma_wait3A_58 = tpu.memref_slice %arg6[%dma_wait3A_57] : memref<800xi32, #tpu.memory_space<vmem>> -> memref<128xi32, #tpu.memory_space<vmem>>
    %dma_wait3A_59 = arith.constant 0 : i32
    %dma_wait3A_60 = arith.constant 0 : i32
    %dma_wait3A_61 = tpu.memref_slice %arg3[%dma_wait3A_59, %dma_wait3A_60] : memref<1000000x32xf32, #tpu.memory_space<hbm>> -> memref<1000000x32xf32, #tpu.memory_space<hbm>>
    tpu.wait_indirect_dma semaphore(%arg12 : memref<!tpu.dma_semaphore, #tpu.memory_space<semaphore_mem>>) src(%dma_wait3A_61 : memref<1000000x32xf32, #tpu.memory_space<hbm>>) dst(%dma_wait3A_56 : memref<128x32xf32, #tpu.memory_space<vmem>>)
    %dma_wait3A_62 = arith.constant 2 : i32
    %dma_wait3A_63 = arith.constant 128 : i32
    %dma_wait3A_64 = arith.constant 0 : i32
    %dma_wait3A_65 = tpu.memref_slice %arg8[%dma_wait3A_62, %dma_wait3A_63, %dma_wait3A_64] : memref<4x200x32xf32, #tpu.memory_space<vmem>> -> memref<1x72x32xf32, #tpu.memory_space<vmem>>
    %dma_wait3A_66 = tpu.memref_squeeze %dma_wait3A_65 : memref<1x72x32xf32, #tpu.memory_space<vmem>> -> memref<72x32xf32, #tpu.memory_space<vmem>>
    %dma_wait3A_67 = arith.constant 528 : i32
    %dma_wait3A_68 = tpu.memref_slice %arg6[%dma_wait3A_67] : memref<800xi32, #tpu.memory_space<vmem>> -> memref<72xi32, #tpu.memory_space<vmem>>
    %dma_wait3A_69 = arith.constant 0 : i32
    %dma_wait3A_70 = arith.constant 0 : i32
    %dma_wait3A_71 = tpu.memref_slice %arg3[%dma_wait3A_69, %dma_wait3A_70] : memref<1000000x32xf32, #tpu.memory_space<hbm>> -> memref<1000000x32xf32, #tpu.memory_space<hbm>>
    tpu.wait_indirect_dma semaphore(%arg12 : memref<!tpu.dma_semaphore, #tpu.memory_space<semaphore_mem>>) src(%dma_wait3A_71 : memref<1000000x32xf32, #tpu.memory_space<hbm>>) dst(%dma_wait3A_66 : memref<72x32xf32, #tpu.memory_space<vmem>>)
    %dma_wait3A_72 = arith.constant 3 : i32
    %dma_wait3A_73 = arith.constant 0 : i32
    %dma_wait3A_74 = arith.constant 0 : i32
    %dma_wait3A_75 = tpu.memref_slice %arg8[%dma_wait3A_72, %dma_wait3A_73, %dma_wait3A_74] : memref<4x200x32xf32, #tpu.memory_space<vmem>> -> memref<1x128x32xf32, #tpu.memory_space<vmem>>
    %dma_wait3A_76 = tpu.memref_squeeze %dma_wait3A_75 : memref<1x128x32xf32, #tpu.memory_space<vmem>> -> memref<128x32xf32, #tpu.memory_space<vmem>>
    %dma_wait3A_77 = arith.constant 600 : i32
    %dma_wait3A_78 = tpu.memref_slice %arg6[%dma_wait3A_77] : memref<800xi32, #tpu.memory_space<vmem>> -> memref<128xi32, #tpu.memory_space<vmem>>
    %dma_wait3A_79 = arith.constant 0 : i32
    %dma_wait3A_80 = arith.constant 0 : i32
    %dma_wait3A_81 = tpu.memref_slice %arg3[%dma_wait3A_79, %dma_wait3A_80] : memref<1000000x32xf32, #tpu.memory_space<hbm>> -> memref<1000000x32xf32, #tpu.memory_space<hbm>>
    tpu.wait_indirect_dma semaphore(%arg12 : memref<!tpu.dma_semaphore, #tpu.memory_space<semaphore_mem>>) src(%dma_wait3A_81 : memref<1000000x32xf32, #tpu.memory_space<hbm>>) dst(%dma_wait3A_76 : memref<128x32xf32, #tpu.memory_space<vmem>>)
    %dma_wait3A_82 = arith.constant 3 : i32
    %dma_wait3A_83 = arith.constant 128 : i32
    %dma_wait3A_84 = arith.constant 0 : i32
    %dma_wait3A_85 = tpu.memref_slice %arg8[%dma_wait3A_82, %dma_wait3A_83, %dma_wait3A_84] : memref<4x200x32xf32, #tpu.memory_space<vmem>> -> memref<1x72x32xf32, #tpu.memory_space<vmem>>
    %dma_wait3A_86 = tpu.memref_squeeze %dma_wait3A_85 : memref<1x72x32xf32, #tpu.memory_space<vmem>> -> memref<72x32xf32, #tpu.memory_space<vmem>>
    %dma_wait3A_87 = arith.constant 728 : i32
    %dma_wait3A_88 = tpu.memref_slice %arg6[%dma_wait3A_87] : memref<800xi32, #tpu.memory_space<vmem>> -> memref<72xi32, #tpu.memory_space<vmem>>
    %dma_wait3A_89 = arith.constant 0 : i32
    %dma_wait3A_90 = arith.constant 0 : i32
    %dma_wait3A_91 = tpu.memref_slice %arg3[%dma_wait3A_89, %dma_wait3A_90] : memref<1000000x32xf32, #tpu.memory_space<hbm>> -> memref<1000000x32xf32, #tpu.memory_space<hbm>>
    tpu.wait_indirect_dma semaphore(%arg12 : memref<!tpu.dma_semaphore, #tpu.memory_space<semaphore_mem>>) src(%dma_wait3A_91 : memref<1000000x32xf32, #tpu.memory_space<hbm>>) dst(%dma_wait3A_86 : memref<72x32xf32, #tpu.memory_space<vmem>>)
    %add3A_92 = arith.constant 508 : i32
    %add3A_93 = arith.addi %mul3A_2, %add3A_92 : i32
    %dma_start3A_94 = arith.constant 0 : i32
    %dma_start3A_95 = arith.constant 0 : i32
    %dma_start3A_96 = tpu.memref_slice %arg4[%add3A_93, %dma_start3A_94, %dma_start3A_95] : memref<16384x200x32xf32, #tpu.memory_space<hbm>> -> memref<4x200x32xf32, #tpu.memory_space<hbm>>
    %dma_start3A_97 = arith.constant 0 : i32
    %dma_start3A_98 = arith.constant 0 : i32
    %dma_start3A_99 = tpu.memref_slice %arg4[%add3A_93, %dma_start3A_97, %dma_start3A_98] : memref<16384x200x32xf32, #tpu.memory_space<hbm>> -> memref<4x200x32xf32, #tpu.memory_space<hbm>>
    tpu.enqueue_dma source(%arg8 : memref<4x200x32xf32, #tpu.memory_space<vmem>>) target(%dma_start3A_99 : memref<4x200x32xf32, #tpu.memory_space<hbm>>) target_semaphore(%arg14 : memref<!tpu.dma_semaphore, #tpu.memory_space<semaphore_mem>>)
    %add3A_100 = arith.constant 504 : i32
    %add3A_101 = arith.addi %mul3A_2, %add3A_100 : i32
    %dma_wait3A_102 = arith.constant 0 : i32
    %dma_wait3A_103 = arith.constant 0 : i32
    %dma_wait3A_104 = tpu.memref_slice %arg4[%add3A_101, %dma_wait3A_102, %dma_wait3A_103] : memref<16384x200x32xf32, #tpu.memory_space<hbm>> -> memref<4x200x32xf32, #tpu.memory_space<hbm>>
    %dma_wait3A_105 = arith.constant 0 : i32
    %dma_wait3A_106 = arith.constant 0 : i32
    %dma_wait3A_107 = tpu.memref_slice %arg4[%add3A_101, %dma_wait3A_105, %dma_wait3A_106] : memref<16384x200x32xf32, #tpu.memory_space<hbm>> -> memref<4x200x32xf32, #tpu.memory_space<hbm>>
    tpu.wait_dma2 semaphore(%arg13 : memref<!tpu.dma_semaphore, #tpu.memory_space<semaphore_mem>>) src(%arg7 : memref<4x200x32xf32, #tpu.memory_space<vmem>>) dst(%dma_wait3A_107 : memref<4x200x32xf32, #tpu.memory_space<hbm>>)
    %add3A_108 = arith.constant 508 : i32
    %add3A_109 = arith.addi %mul3A_2, %add3A_108 : i32
    %dma_wait3A_110 = arith.constant 0 : i32
    %dma_wait3A_111 = arith.constant 0 : i32
    %dma_wait3A_112 = tpu.memref_slice %arg4[%add3A_109, %dma_wait3A_110, %dma_wait3A_111] : memref<16384x200x32xf32, #tpu.memory_space<hbm>> -> memref<4x200x32xf32, #tpu.memory_space<hbm>>
    %dma_wait3A_113 = arith.constant 0 : i32
    %dma_wait3A_114 = arith.constant 0 : i32
    %dma_wait3A_115 = tpu.memref_slice %arg4[%add3A_109, %dma_wait3A_113, %dma_wait3A_114] : memref<16384x200x32xf32, #tpu.memory_space<hbm>> -> memref<4x200x32xf32, #tpu.memory_space<hbm>>
    tpu.wait_dma2 semaphore(%arg14 : memref<!tpu.dma_semaphore, #tpu.memory_space<semaphore_mem>>) src(%arg8 : memref<4x200x32xf32, #tpu.memory_space<vmem>>) dst(%dma_wait3A_115 : memref<4x200x32xf32, #tpu.memory_space<hbm>>)
    return
  }
}

</mosaic_0001>

<sc_bundles>
// kernel: kernel.3.cloned.1.call-start
scs
__scs_entry_jumppad:
0x0: {  	(pc) =	sbr.rel $0x88, $3  }
0x1: {  	(tag) =	ssettag $0x0;
	lr =	simm.s32 $0x1  }
0x2: {  	[smem:$0x3F9F] =	sst lr;
	_ =	strace $0xD0000000  }
0x3: {  	_ = 	snop  }
0x4: {  	_ = 	snop  }
0x5: {  	_ = 	snop  }
0x6: {  	_ = 	snop  }
0x7: {  	_ = 	snop  }
__scs_overlays_trampoline_lowered:
0x8: {  	[smem:$0x3FAE] =	sst s0  }
0x9: {  	[smem:$0x3FAF] =	sst s1  }
0xa: {  	[smem:$0x3FB0] =	sst s2  }
0xb: {  	[smem:$0x3FB1] =	sst s3  }
0xc: {  	[smem:$0x3FB2] =	sst s4  }
0xd: {  	[smem:$0x3FB3] =	sst s5  }
0xe: {  	[smem:$0x3FB4] =	sst s6  }
0xf: {  	[smem:$0x3FB5] =	sst s7  }
0x10: {  	[smem:$0x3FB6] =	sst s8  }
0x11: {  	[smem:$0x3FB7] =	sst s9;
	s0 =	simm.s32 @!p0 $0x0  }
0x12: {  	s1 =	sld [smem:$0x3F9D];
	s0 =	simm.s32 @p0 $0x1  }
0x13: {  	[smem:$0x3FB8] =	sst s0;
	s0 =	simm.s32 @!p1 $0x0  }
0x14: {  	s2 =	sld [smem:$0x3F9C];
	s0 =	simm.s32 @p1 $0x1  }
0x15: {  	[smem:$0x3FB9] =	sst s0;
	s0 =	simm.s32 @!p2 $0x0  }
0x16: {  	s3 =	sld [smem:$0x3FDB];
	s0 =	simm.s32 @p2 $0x1  }
0x17: {  	s4 =	simm.s32 $0x1BF5;
	[smem:$0x3FBB] =	sst s0  }
0x18: {  	s0 =	sld [smem:$0x3F9E];
	_ =	swait.ge [sflag:s4], $0x0  }
0x19: {  	s7 =	sld [smem:$0x3F9F]  }
0x1a: {  	s8 =	sadd.s32 $0xFFFFE003, lr  }
0x1b: {  	s9 =	sadd.s32 $0xFFFFFEF7, lr;
	s5 =	simm.s32 $0xFFFFFFFF;
	p2 =	slt.u32 s8, $0xFFFFF086  }
0x1c: {  	p1 =	slt.u32 s9, $0xF7A;
	s5 =	simm.s32 @!p2 $0x0  }
0x1d: {  	s5 =	simm.s32 @p1 $0x1;
	p0 =	seq.s32 s7, s2  }
0x1e: {  	s7 =	smul.u32 @!p0 $0xF7A, s2;
	p2 =	seq.s32 @!p0 s5, $0x0  }
0x1f: {  	s9 =	smul.u32 $0xF7A, s1;
	s8 =	simm.s32 @!p0 $0x1BF5;
	p2 =	por !p2, p0  }
0x20: {  	[sflag:s8] =	ssyncset.s32 @!p0 $0xFFFFF086;
	s6 =	sadd.s32 @!p0 s3, s7;
	s7 =	simm.s32 @!p0 $0x108  }
0x21: {  	s3 =	sadd.s32 s3, s9;
	s6 =	sadd.s32 @!p0 $0x88, s6;
	s7 =	simm.s32 @p2 $0x1082  }
0x22: {  	[simem:s7], [sflag:s8] =	dma.local @!p0 [hbm:s6], $0xF7A  }
0x23: {  	s9 =	sor.u32 $0xD0000000, s2;
	s6 =	simm.s32 $0x108;
	_ =	swait.ge @!p0 [sflag:s8], $0x0  }
0x24: {  	s3 =	sadd.s32 $0x88, s3;
	s6 =	simm.s32 @!p1 $0x1082;
	[sflag:s4] =	ssyncset.s32 $0xFFFFF086  }
0x25: {  	[simem:s6], [sflag:s4] =	dma.local [hbm:s3], $0xF7A  }
0x26: {  	[smem:$0x3F9F] =	sst s1;
	(tag) =	ssettag s2;
	_ =	strace s9  }
0x27: {  	s1 =	sld [smem:$0x3FAF]  }
0x28: {  	s2 =	sld [smem:$0x3FB0]  }
0x29: {  	s4 =	sld [smem:$0x3FB2]  }
0x2a: {  	p0 =	seq.s32 s5, $0x0;
	s5 =	sld [smem:$0x3FB3]  }
0x2b: {  	s6 =	sld [smem:$0x3FB4]  }
0x2c: {  	s7 =	sld [smem:$0x3FB5]  }
0x2d: {  	s3 =	simm.s32 $0x108;
	s8 =	sld [smem:$0x3FB6]  }
0x2e: {  	s3 =	simm.s32 @!p0 $0x1082;
	s9 =	sld [smem:$0x3FB7]  }
0x2f: {  	lr =	sadd.s32 s0, s3;
	s0 =	sld [smem:$0x3FAE]  }
0x30: {  	s3 =	sld [smem:$0x3FB1]  }
0x31: {  	[smem:$0x3FBA] =	sst s10  }
0x32: {  	s10 =	sld [smem:$0x3FB8];
	_ =	sdelay $0x3  }
0x33: {  	p0 =	seq.s32 s10, $0x1;
	s10 =	sld [smem:$0x3FBA];
	_ =	sdelay $0x3  }
0x34: {  	[smem:$0x3FBA] =	sst s10  }
0x35: {  	s10 =	sld [smem:$0x3FB9];
	_ =	sdelay $0x3  }
0x36: {  	p1 =	seq.s32 s10, $0x1;
	s10 =	sld [smem:$0x3FBA];
	_ =	sdelay $0x3  }
0x37: {  	[smem:$0x3FBA] =	sst s10  }
0x38: {  	s10 =	sld [smem:$0x3FBB]  }
0x39: {  	_ = 	snop;
	(pc) =	sbr.ind lr, $3  }
0x3a: {  	_ = 	snop  }
0x3b: {  	_ = 	snop  }
0x3c: {  	p2 =	seq.s32 s10, $0x1;
	s10 =	sld [smem:$0x3FBA]  }
0x3d: {  	_ =	shalt  }
0x3e: {  	_ =	shalt  }
0x3f: {  	_ =	shalt  }
0x40: {  	_ =	shalt  }
0x41: {  	_ =	shalt  }
0x42: {  	_ =	shalt  }
0x43: {  	_ =	shalt  }
0x44: {  	_ =	shalt  }
0x45: {  	_ =	shalt  }
0x46: {  	_ =	shalt  }
0x47: {  	_ =	shalt  }
0x48: {  	_ =	shalt  }
0x49: {  	_ =	shalt  }
0x4a: {  	_ =	shalt  }
0x4b: {  	_ =	shalt  }
0x4c: {  	_ =	shalt  }
0x4d: {  	_ =	shalt  }
0x4e: {  	_ =	shalt  }
0x4f: {  	_ =	shalt  }
0x50: {  	_ =	shalt  }
0x51: {  	_ =	shalt  }
0x52: {  	_ =	shalt  }
0x53: {  	_ =	shalt  }
0x54: {  	_ =	shalt  }
0x55: {  	_ =	shalt  }
0x56: {  	_ =	shalt  }
0x57: {  	_ =	shalt  }
0x58: {  	_ =	shalt  }
0x59: {  	_ =	shalt  }
0x5a: {  	_ =	shalt  }
0x5b: {  	_ =	shalt  }
0x5c: {  	_ =	shalt  }
0x5d: {  	_ =	shalt  }
0x5e: {  	_ =	shalt  }
0x5f: {  	_ =	shalt  }
0x60: {  	_ =	shalt  }
0x61: {  	_ =	shalt  }
0x62: {  	_ =	shalt  }
0x63: {  	_ =	shalt  }
0x64: {  	_ =	shalt  }
0x65: {  	_ =	shalt  }
0x66: {  	_ =	shalt  }
0x67: {  	_ =	shalt  }
0x68: {  	_ =	shalt  }
0x69: {  	_ =	shalt  }
0x6a: {  	_ =	shalt  }
0x6b: {  	_ =	shalt  }
0x6c: {  	_ =	shalt  }
0x6d: {  	_ =	shalt  }
0x6e: {  	_ =	shalt  }
0x6f: {  	_ =	shalt  }
0x70: {  	_ =	shalt  }
0x71: {  	_ =	shalt  }
0x72: {  	_ =	shalt  }
0x73: {  	_ =	shalt  }
0x74: {  	_ =	shalt  }
0x75: {  	_ =	shalt  }
0x76: {  	_ =	shalt  }
0x77: {  	_ =	shalt  }
0x78: {  	_ =	shalt  }
0x79: {  	_ =	shalt  }
0x7a: {  	_ =	shalt  }
0x7b: {  	_ =	shalt  }
0x7c: {  	_ =	shalt  }
0x7d: {  	_ =	shalt  }
0x7e: {  	_ =	shalt  }
0x7f: {  	_ =	shalt  }
0x80: {  	_ =	shalt  }
0x81: {  	_ =	shalt  }
0x82: {  	_ =	shalt  }
0x83: {  	_ =	shalt  }
0x84: {  	_ =	shalt  }
0x85: {  	_ =	shalt  }
0x86: {  	_ =	shalt  }
0x87: {  	_ =	shalt  }
.Lfunc_end0:
.L_simem_size_0:
called_computation.1_lowered:
.L_overlay_start_0:
0x88: {  	s2 =	sld [smem:$0x3FD9]  }
0x89: {  	s3 =	sld [smem:$0x3FFE];
	_ =	sdelay $0x1  }
0x8a: {  	s1 =	srdreg.scid  }
0x8b: {  	s0 =	sand.u32 $0x1, s1  }
0x8c: {  	s17 =	sshll.u32 s0, $0xA;
	s2 =	sadd.s32 s3, s2  }
0x8d: {  	s2 =	sadd.s32 s2, s17  }
0x8e: {  	[smem:$0x3FC6] =	sst s2  }
0x8f: {  	_ = 	snop  }
0x90: {  	s2 =	sld [smem:$0x3FD0];
	(tm) =	ssettm $0x1  }
0x91: {  	s18 =	sld [smem:$0x3FFB];
	_ =	sdelay $0x3  }
0x92: {  	_ =	strace s18  }
0x93: {  	s3 =	sld [smem:$0x3FFC];
	_ =	sdelay $0x3  }
0x94: {  	_ =	strace s3  }
0x95: {  	s3 =	sld [smem:$0x3FFD];
	_ =	sdelay $0x3  }
0x96: {  	_ =	strace s3  }
0x97: {  	_ =	strace $0x8FFFFFFF  }
0x98: {  	s19 =	sld [smem:$0x3FDB];
	_ =	sdelay $0x1  }
0x99: {  	s4 =	simm.s32 $_scs_section_size  }
0x9a: {  	s5 =	simm.s32 $_size__tile_overlayer_lowered;
	s6 =	simm.s32 $_tile_overlayer_lowered  }
0x9b: {  	s22 =	simm.s32 $0x1BFF;
	s21 =	sshll.u32 s6, $0x1;
	s3 =	sadd.s32 s4, s19  }
0x9c: {  	s7 =	simm.s32 $0x0;
	s20 =	sshll.u32 s5, $0x1;
	s5 =	sadd.s32 s21, s3  }
0x9d: {  	[timem:s7], [sflag:s22] =	dma.local [hbm:s5], s20  }
0x9e: {  	_ =	swait.ge [sflag:s22], s20  }
0x9f: {  	s4 =	ssub.s32 $0x0, s20;
	[sflag:s22] =	ssyncset.done $0x0  }
0xa0: {  	[sflag:s22] =	ssyncadd.s32 s4;
	_ =	sdelay $0x1  }
0xa1: {  	s23 =	simm.s32 $0x1B8B  }
0xa2: {  	_ =	swait.ge [sflag:s23], $0x1  }
0xa3: {  	[sflag:s23] =	ssyncset.done $0x0  }
0xa4: {  	s25 =	simm.s32 $0x1B8E;
	s24 =	sld [smem:$0x3FFE];
	[sflag:s23] =	ssyncadd.s32 $0xFFFFFFFF  }
0xa5: {  	s26 =	simm.s32 $execute0_lowered;
	[smem:$0x3FD2] =	sst s25  }
0xa6: {  	s5 =	sshll.u32 s26, $0x1;
	_ =	strace $0x80000046;
	[dreg:$0x1] =	wrdreg $0xFFFFFFFF  }
0xa7: {  	s28 =	simm.s32 $_size_execute0_lowered;
	s3 =	sadd.s32 s3, s5;
	[dreg:$0x0] =	wrdreg $0x0  }
0xa8: {  	s5 =	sshll.u32 s28, $0x1;
	[dreg:$0x2] =	wrdreg s3  }
0xa9: {  	[dreg:$0x3] =	wrdreg s5  }
0xaa: {  	[dreg:$0x4] =	wrdreg $0xC0  }
0xab: {  	_ =	task [dreg:s7], $0x5FFFF  }
0xac: {  	[dreg:$0x1] =	wrdreg $0xFFFFFFFF  }
0xad: {  	[dreg:$0x0] =	wrdreg $0x60  }
0xae: {  	[dreg:$0x2] =	wrdreg s24  }
0xaf: {  	[dreg:$0x3] =	wrdreg s2  }
0xb0: {  	[dreg:$0x4] =	wrdreg $0x9  }
0xb1: {  	_ =	task.clear_ibuf [dreg:s7], $0x5FFFF;
	_ =	strace $0x90000046  }
0xb2: {  	s29 =	simm.s32 $0x9;
	_ =	strace $0x80000048  }
0xb3: {  	_ =	swait.ge [sflag:s29], $0x1  }
0xb4: {  	[sflag:s29] =	ssyncadd.s32 $0xFFFFFFFF  }
0xb5: {  	_ =	strace $0x90000048  }
0xb6: {  	_ =	sfence  }
0xb7: {  	s30 =	sld [smem:$0x0];
	_ =	sdelay $0x2  }
0xb8: {  	s31 =	sshll.u32 s1, $0xD;
	s1 =	sshrl.u32 s1, $0x2  }
0xb9: {  	s3 =	sand.u32 $0x4000, s31;
	s1 =	sadd.s32 s1, s30  }
0xba: {  	s0 =	sor.u32 s3, s0;
	s1 =	sshll.u32 s1, $0x11  }
0xbb: {  	s0 =	sor.u32 s1, s0  }
0xbc: {  	s0 =	sadd.s32 $0x8F2B, s0  }
0xbd: {  	[sflag:s0] =	ssyncadd.remote.s32 $0x1  }
0xbe: {  	_ =	sfence.sel $0xFFFF  }
0xbf: {  	[dreg:$0x0] =	wrdreg $0xFFFFFFFF;
	(pc) =	sbr.abs _section_cstart, $3  }
0xc0: {  	[dreg:$0x1] =	wrdreg $0xFFFFFFFF  }
0xc1: {  	_ =	task.clear_ibuf [dreg:s7], $0x2FFFF;
	_ =	strace $0x9FFFFFFF  }
0xc2: {  	(tm) =	ssettm $0x7FFFFFFF  }
0xc3: {  	_ =	shalt  }
tec
execute0_lowered:
.L_overlay_start_1:
0x0: {  	(tag) =	ssettag $0x1  }
0x1: {  	s0 =	rddreg [dreg:$0x0]  }
0x2: {  	s13 =	rddreg [dreg:$0x1]  }
0x3: {  	s3 =	simm.s32 $0x0;
	s1 =	srdreg.scid;
	s2 =	stileid.u32  }
0x4: {  	s14 =	simm.s32 $0x80;
	s15 =	simm.s32 $0x6A40;
	s16 =	simm.s32 $0x48  }
0x5: {  	s19 =	simm.s32 $0x3E8;
	s20 =	simm.s32 $0x8340;
	s28 =	simm.s32 $0x578  }
0x6: {  	s29 =	simm.s32 $0xB540;
	s30 =	simm.s32 $0x5F8;
	s31 =	simm.s32 $0xC540  }
0x7: {  	[smem:$0x7FF] =	sst s3;
	s1 =	sand.u32 $0x1, s1;
	s9 =	smul.u32 $0x6400, s2  }
0x8: {  	s4 =	sshll.u32 s2, $0x1;
	s6 =	sadd.s32 $0x800, s0;
	s23 =	smul.u32 $0xC8000, s2  }
0x9: {  	_ =	strace $0x80000047;
	s5 =	sor.u32 s1, s4;
	s12 =	smul.u32 $0x3200, s1  }
0xa: {  	s7 =	ssub.s32 $0x2, s1;
	s11 =	sshll.u32 s1, $0x9;
	s1 =	smul.u32 $0x64000, s1  }
0xb: {  	s10 =	sshll.u32 s2, $0xA;
	s4 =	sadd.s32 $0xFA6C00, s0;
	s8 =	smul.u32 $0x3200, s5  }
0xc: {  	s21 =	sshrl.u32 s7, $0x1;
	s5 =	smul.u32 $0x320000, s5;
	s10 =	sor.u32 s11, s10  }
0xd: {  	s24 =	sadd.s32 s9, s6;
	s26 =	sadd.s32 s23, s13;
	s11 =	simm.s32 $0x1  }
0xe: {  	s23 =	simm.s32 $0x4B0;
	s0 =	ssub.s32 s7, s21;
	s22 =	smul.u32 $0x1900, s10  }
0xf: {  	s21 =	simm.s32 $0x468;
	s5 =	sshrl.u32 s5, $0x3;
	s8 =	sadd.s32 s6, s8  }
0x10: {  	s0 =	smax.u32 s0, $0x1;
	s6 =	simm.s32 $0x0;
	[dreg:$0x3] =	wrdreg s8  }
0x11: {  	s5 =	sadd.s32 s13, s5;
	[dreg:$0x5] =	wrdreg s0;
	s8 =	sadd.s32 s12, s24  }
.Ltmp0:
0x12: {  	s25 =	sadd.s32 $0xFFFF9C00, s22;
	s0 =	sadd.s32 s1, s26;
	(pc) =	sbr.rel .LBB2_1-.Ltmp0, $4  }
0x13: {  	s12 =	simm.s32 $0x320;
	s13 =	simm.s32 $0x2;
	s22 =	simm.s32 $0x9340  }
0x14: {  	s24 =	simm.s32 $0x9C40;
	s26 =	simm.s32 $0xAC40;
	[dreg:$0x6] =	wrdreg s25  }
0x15: {  	s1 =	simm.s32 $0x640;
	s5 =	sadd.s32 $0x63380, s5;
	[dreg:$0x7] =	wrdreg s0  }
0x16: {  	s25 =	simm.s32 $0x530;
	s0 =	simm.s32 $0x3;
	[dreg:$0x4] =	wrdreg s5  }
.LBB2_4:
0x17: {  	s2 =	simm.s32 $0x4  }
0x18: {  	_ =	swait.ge [sflag:s2], $0x1000  }
0x19: {  	[sflag:s2] =	ssyncset.done $0x0  }
0x1a: {  	[sflag:s2] =	ssyncadd.s32 $0xFFFFF000  }
0x1b: {  	_ =	swait.ge [sflag:s2], $0x900  }
0x1c: {  	[sflag:s2] =	ssyncset.done $0x0  }
0x1d: {  	[sflag:s2] =	ssyncadd.s32 $0xFFFFF700  }
0x1e: {  	_ =	swait.ge [sflag:s2], $0x1000  }
0x1f: {  	[sflag:s2] =	ssyncset.done $0x0  }
0x20: {  	[sflag:s2] =	ssyncadd.s32 $0xFFFFF000  }
0x21: {  	_ =	swait.ge [sflag:s2], $0x900  }
0x22: {  	[sflag:s2] =	ssyncset.done $0x0  }
0x23: {  	[sflag:s2] =	ssyncadd.s32 $0xFFFFF700  }
0x24: {  	_ =	swait.ge [sflag:s2], $0x1000  }
0x25: {  	[sflag:s2] =	ssyncset.done $0x0  }
0x26: {  	[sflag:s2] =	ssyncadd.s32 $0xFFFFF000  }
0x27: {  	_ =	swait.ge [sflag:s2], $0x900  }
0x28: {  	[sflag:s2] =	ssyncset.done $0x0  }
0x29: {  	[sflag:s2] =	ssyncadd.s32 $0xFFFFF700  }
0x2a: {  	_ =	swait.ge [sflag:s2], $0x1000  }
0x2b: {  	[sflag:s2] =	ssyncset.done $0x0  }
0x2c: {  	[sflag:s2] =	ssyncadd.s32 $0xFFFFF000  }
0x2d: {  	_ =	swait.ge [sflag:s2], $0x900  }
0x2e: {  	[sflag:s2] =	ssyncset.done $0x0  }
0x2f: {  	s17 =	simm.s32 $0x5;
	s10 =	rddreg [dreg:$0x4];
	[sflag:s2] =	ssyncadd.s32 $0xFFFFF700  }
0x30: {  	[hbm4b:s10+s3] =	stream.linear.scatter [tilespmem:s15], [sflag:$0x6], $0x6400, $0x38;
	[tilespmem:$0xCE40] =	vst v63  }
0x31: {  	_ =	swait.ge [sflag:s17], $0x6400  }
0x32: {  	[sflag:s17] =	ssyncset.done $0x0  }
0x33: {  	s5 =	simm.s32 $0x6;
	[sflag:s17] =	ssyncadd.s32 $0xFFFF9C00  }
0x34: {  	_ =	swait.ge [sflag:s5], $0x6400  }
0x35: {  	s6 =	rddreg [dreg:$0x8]  }
0x36: {  	s18 =	rddreg [dreg:$0x5];
	s6 =	sadd.s32 $0x1, s6  }
0x37: {  	p0 =	sne.s32 s6, s18  }
.Ltmp1:
0x38: {  	_ = 	snop;
	(pc) =	sbr.rel @!p0 .LBB2_5-.Ltmp1, $3  }
0x39: {  	_ =	sdelay $0x1  }
0x3a: {  	[sflag:s5] =	ssyncset.done $0x0  }
0x3b: {  	[sflag:s5] =	ssyncadd.s32 $0xFFFF9C00  }
.LBB2_1:
0x3c: {  	[dreg:$0x8] =	wrdreg s6  }
0x3d: {  	s2 =	rddreg [dreg:$0x3]  }
0x3e: {  	s10 =	rddreg [dreg:$0x7]  }
0x3f: {  	s6 =	rddreg [dreg:$0x6];
	s7 =	simm.s32 $0x0  }
0x40: {  	[tilespmem:s3], [sflag:$0x1] =	stream.linear.gather [hbm4b:s2+s3], $0x320, $0x38;
	[tilespmem:$0xCE40] =	vst v63  }
.LBB2_2:
0x41: {  	_ =	swait.ge [sflag:s11], $0x320;
	p0 =	seq.s32 s7, $0x0  }
0x42: {  	[sflag:s11] =	ssyncset.done $0x0;
	s9 =	simm.s32 @p0 $0x80  }
0x43: {  	s5 =	simm.s32 @p0 $0x0;
	s2 =	simm.s32 @p0 $0x640;
	[sflag:s11] =	ssyncadd.s32 $0xFFFFFCE0  }
0x44: {  	[tilespmem:s2], [sflag:$0x3] =	stream.indirect.gather @p0 [hbm4b:s4+s9], $0x20, s5, s9, $0xb8;
	[tilespmem:$0xCE40] =	vst v63  }
0x45: {  	s2 =	simm.s32 @p0 $0x48;
	s5 =	simm.s32 @p0 $0x1640  }
0x46: {  	[tilespmem:s5], [sflag:$0x3] =	stream.indirect.gather @p0 [hbm4b:s4+s2], $0x20, s9, s2, $0xb8;
	[tilespmem:$0xCE40] =	vst v63  }
0x47: {  	s17 =	simm.s32 @p0 $0x1F40;
	s5 =	simm.s32 @p0 $0xC8  }
0x48: {  	[tilespmem:s17], [sflag:$0x3] =	stream.indirect.gather @p0 [hbm4b:s4+s9], $0x20, s5, s9, $0xb8;
	[tilespmem:$0xCE40] =	vst v63  }
0x49: {  	s5 =	simm.s32 @p0 $0x148;
	s17 =	simm.s32 @p0 $0x2F40  }
0x4a: {  	[tilespmem:s17], [sflag:$0x3] =	stream.indirect.gather @p0 [hbm4b:s4+s2], $0x20, s5, s2, $0xb8;
	[tilespmem:$0xCE40] =	vst v63  }
0x4b: {  	s5 =	simm.s32 @p0 $0x190;
	s17 =	simm.s32 @p0 $0x3840  }
0x4c: {  	[tilespmem:s17], [sflag:$0x3] =	stream.indirect.gather @p0 [hbm4b:s4+s9], $0x20, s5, s9, $0xb8;
	[tilespmem:$0xCE40] =	vst v63  }
0x4d: {  	s5 =	simm.s32 @p0 $0x210;
	s17 =	simm.s32 @p0 $0x4840  }
0x4e: {  	[tilespmem:s17], [sflag:$0x3] =	stream.indirect.gather @p0 [hbm4b:s4+s2], $0x20, s5, s2, $0xb8;
	[tilespmem:$0xCE40] =	vst v63  }
0x4f: {  	s5 =	simm.s32 @p0 $0x258;
	s17 =	simm.s32 @p0 $0x5140  }
0x50: {  	[tilespmem:s17], [sflag:$0x3] =	stream.indirect.gather @p0 [hbm4b:s4+s9], $0x20, s5, s9, $0xb8;
	[tilespmem:$0xCE40] =	vst v63  }
0x51: {  	s5 =	simm.s32 @p0 $0x2D8;
	s9 =	simm.s32 @p0 $0x6140  }
0x52: {  	[tilespmem:s9], [sflag:$0x3] =	stream.indirect.gather @p0 [hbm4b:s4+s2], $0x20, s5, s2, $0xb8;
	[tilespmem:$0xCE40] =	vst v63  }
0x53: {  	s2 =	simm.s32 @!p0 $0x5  }
0x54: {  	_ =	swait.ge @!p0 [sflag:s2], $0x6400  }
0x55: {  	s5 =	simm.s32 @!p0 $0x0;
	[sflag:s2] =	ssyncset.done @!p0 $0x0  }
0x56: {  	s9 =	simm.s32 @!p0 $0x640;
	[sflag:s2] =	ssyncadd.s32 @!p0 $0xFFFF9C00;
	s2 =	simm.s32 @!p0 $0x80  }
0x57: {  	[tilespmem:s9], [sflag:$0x3] =	stream.indirect.gather @!p0 [hbm4b:s4+s2], $0x20, s5, s2, $0xb8;
	[tilespmem:$0xCE40] =	vst v63  }
0x58: {  	s17 =	simm.s32 @!p0 $0x1640;
	s9 =	simm.s32 @!p0 $0x48  }
0x59: {  	[tilespmem:s17], [sflag:$0x3] =	stream.indirect.gather @!p0 [hbm4b:s4+s9], $0x20, s2, s9, $0xb8;
	[tilespmem:$0xCE40] =	vst v63  }
0x5a: {  	s18 =	simm.s32 @!p0 $0x1F40;
	s17 =	simm.s32 @!p0 $0xC8  }
0x5b: {  	[tilespmem:s18], [sflag:$0x3] =	stream.indirect.gather @!p0 [hbm4b:s4+s2], $0x20, s17, s2, $0xb8;
	[tilespmem:$0xCE40] =	vst v63  }
0x5c: {  	s17 =	simm.s32 @!p0 $0x148;
	s18 =	simm.s32 @!p0 $0x2F40  }
0x5d: {  	[tilespmem:s18], [sflag:$0x3] =	stream.indirect.gather @!p0 [hbm4b:s4+s9], $0x20, s17, s9, $0xb8;
	[tilespmem:$0xCE40] =	vst v63  }
0x5e: {  	s17 =	simm.s32 @!p0 $0x190;
	s18 =	simm.s32 @!p0 $0x3840  }
0x5f: {  	[tilespmem:s18], [sflag:$0x3] =	stream.indirect.gather @!p0 [hbm4b:s4+s2], $0x20, s17, s2, $0xb8;
	[tilespmem:$0xCE40] =	vst v63  }
0x60: {  	s17 =	simm.s32 @!p0 $0x210;
	s18 =	simm.s32 @!p0 $0x4840  }
0x61: {  	[tilespmem:s18], [sflag:$0x3] =	stream.indirect.gather @!p0 [hbm4b:s4+s9], $0x20, s17, s9, $0xb8;
	[tilespmem:$0xCE40] =	vst v63  }
0x62: {  	s17 =	simm.s32 @!p0 $0x258;
	s18 =	simm.s32 @!p0 $0x5140  }
0x63: {  	[tilespmem:s18], [sflag:$0x3] =	stream.indirect.gather @!p0 [hbm4b:s4+s2], $0x20, s17, s2, $0xb8;
	[tilespmem:$0xCE40] =	vst v63  }
0x64: {  	s2 =	simm.s32 @!p0 $0x2D8;
	s17 =	simm.s32 @!p0 $0x6140  }
0x65: {  	[tilespmem:s17], [sflag:$0x3] =	stream.indirect.gather @!p0 [hbm4b:s4+s9], $0x20, s2, s9, $0xb8;
	[tilespmem:$0xCE40] =	vst v63  }
0x66: {  	s2 =	simm.s32 @!p0 $0x4  }
0x67: {  	_ =	swait.ge @!p0 [sflag:s2], $0x1000  }
0x68: {  	[sflag:s2] =	ssyncset.done @!p0 $0x0  }
0x69: {  	[sflag:s2] =	ssyncadd.s32 @!p0 $0xFFFFF000  }
0x6a: {  	_ =	swait.ge @!p0 [sflag:s2], $0x900  }
0x6b: {  	[sflag:s2] =	ssyncset.done @!p0 $0x0  }
0x6c: {  	[sflag:s2] =	ssyncadd.s32 @!p0 $0xFFFFF700  }
0x6d: {  	_ =	swait.ge @!p0 [sflag:s2], $0x1000  }
0x6e: {  	[sflag:s2] =	ssyncset.done @!p0 $0x0  }
0x6f: {  	[sflag:s2] =	ssyncadd.s32 @!p0 $0xFFFFF000  }
0x70: {  	_ =	swait.ge @!p0 [sflag:s2], $0x900  }
0x71: {  	[sflag:s2] =	ssyncset.done @!p0 $0x0  }
0x72: {  	[sflag:s2] =	ssyncadd.s32 @!p0 $0xFFFFF700  }
0x73: {  	_ =	swait.ge @!p0 [sflag:s2], $0x1000  }
0x74: {  	[sflag:s2] =	ssyncset.done @!p0 $0x0  }
0x75: {  	[sflag:s2] =	ssyncadd.s32 @!p0 $0xFFFFF000  }
0x76: {  	_ =	swait.ge @!p0 [sflag:s2], $0x900  }
0x77: {  	[sflag:s2] =	ssyncset.done @!p0 $0x0  }
0x78: {  	[sflag:s2] =	ssyncadd.s32 @!p0 $0xFFFFF700  }
0x79: {  	_ =	swait.ge @!p0 [sflag:s2], $0x1000  }
0x7a: {  	[sflag:s2] =	ssyncset.done @!p0 $0x0  }
0x7b: {  	[sflag:s2] =	ssyncadd.s32 @!p0 $0xFFFFF000  }
0x7c: {  	_ =	swait.ge @!p0 [sflag:s2], $0x900  }
0x7d: {  	[sflag:s2] =	ssyncset.done @!p0 $0x0  }
0x7e: {  	[sflag:s2] =	ssyncadd.s32 @!p0 $0xFFFFF700  }
0x7f: {  	s9 =	sshrl.u32 @!p0 s6, $0x3;
	s2 =	rddreg [dreg:$0x1]  }
0x80: {  	s2 =	sadd.s32 @!p0 s2, s9;
	s9 =	simm.s32 @!p0 $0x6A40  }
0x81: {  	[hbm4b:s2+s5] =	stream.linear.scatter @!p0 [tilespmem:s9], [sflag:$0x6], $0x6400, $0x38;
	[tilespmem:$0xCE40] =	vst v63  }
0x82: {  	s9 =	sadd.s32 s7, s8  }
0x83: {  	s5 =	sadd.s32 $0x64, s9  }
0x84: {  	[tilespmem:s12], [sflag:$0x2] =	stream.linear.gather [hbm4b:s5+s3], $0x320, $0x38;
	[tilespmem:$0xCE40] =	vst v63  }
0x85: {  	_ =	swait.ge [sflag:s13], $0x320  }
0x86: {  	[sflag:s13] =	ssyncset.done $0x0  }
0x87: {  	s2 =	simm.s32 @!p0 $0x6;
	[sflag:s13] =	ssyncadd.s32 $0xFFFFFCE0  }
0x88: {  	_ =	swait.ge @!p0 [sflag:s2], $0x6400  }
0x89: {  	[sflag:s2] =	ssyncset.done @!p0 $0x0  }
0x8a: {  	[sflag:s2] =	ssyncadd.s32 @!p0 $0xFFFF9C00  }
0x8b: {  	[tilespmem:s15], [sflag:$0x4] =	stream.indirect.gather [hbm4b:s4+s14], $0x20, s12, s14, $0xb8;
	[tilespmem:$0xCE40] =	vst v63  }
0x8c: {  	s18 =	simm.s32 $0x7A40;
	s17 =	simm.s32 $0x3A0  }
0x8d: {  	[tilespmem:s18], [sflag:$0x4] =	stream.indirect.gather [hbm4b:s4+s16], $0x20, s17, s16, $0xb8;
	[tilespmem:$0xCE40] =	vst v63  }
0x8e: {  	_ = 	snop  }
0x8f: {  	[tilespmem:s20], [sflag:$0x4] =	stream.indirect.gather [hbm4b:s4+s14], $0x20, s19, s14, $0xb8;
	[tilespmem:$0xCE40] =	vst v63  }
0x90: {  	_ = 	snop  }
0x91: {  	[tilespmem:s22], [sflag:$0x4] =	stream.indirect.gather [hbm4b:s4+s16], $0x20, s21, s16, $0xb8;
	[tilespmem:$0xCE40] =	vst v63  }
0x92: {  	_ = 	snop  }
0x93: {  	[tilespmem:s24], [sflag:$0x4] =	stream.indirect.gather [hbm4b:s4+s14], $0x20, s23, s14, $0xb8;
	[tilespmem:$0xCE40] =	vst v63  }
0x94: {  	_ = 	snop  }
0x95: {  	[tilespmem:s26], [sflag:$0x4] =	stream.indirect.gather [hbm4b:s4+s16], $0x20, s25, s16, $0xb8;
	[tilespmem:$0xCE40] =	vst v63  }
0x96: {  	_ = 	snop  }
0x97: {  	[tilespmem:s29], [sflag:$0x4] =	stream.indirect.gather [hbm4b:s4+s14], $0x20, s28, s14, $0xb8;
	[tilespmem:$0xCE40] =	vst v63  }
0x98: {  	_ = 	snop  }
0x99: {  	[tilespmem:s31], [sflag:$0x4] =	stream.indirect.gather [hbm4b:s4+s16], $0x20, s30, s16, $0xb8;
	[tilespmem:$0xCE40] =	vst v63  }
0x9a: {  	_ =	swait.ge [sflag:s0], $0x1000  }
0x9b: {  	[sflag:s0] =	ssyncset.done $0x0  }
0x9c: {  	[sflag:s0] =	ssyncadd.s32 $0xFFFFF000  }
0x9d: {  	_ =	swait.ge [sflag:s0], $0x900  }
0x9e: {  	[sflag:s0] =	ssyncset.done $0x0  }
0x9f: {  	[sflag:s0] =	ssyncadd.s32 $0xFFFFF700  }
0xa0: {  	_ =	swait.ge [sflag:s0], $0x1000  }
0xa1: {  	[sflag:s0] =	ssyncset.done $0x0  }
0xa2: {  	[sflag:s0] =	ssyncadd.s32 $0xFFFFF000  }
0xa3: {  	_ =	swait.ge [sflag:s0], $0x900  }
0xa4: {  	[sflag:s0] =	ssyncset.done $0x0  }
0xa5: {  	[sflag:s0] =	ssyncadd.s32 $0xFFFFF700  }
0xa6: {  	_ =	swait.ge [sflag:s0], $0x1000  }
0xa7: {  	[sflag:s0] =	ssyncset.done $0x0  }
0xa8: {  	[sflag:s0] =	ssyncadd.s32 $0xFFFFF000  }
0xa9: {  	_ =	swait.ge [sflag:s0], $0x900  }
0xaa: {  	[sflag:s0] =	ssyncset.done $0x0  }
0xab: {  	[sflag:s0] =	ssyncadd.s32 $0xFFFFF700  }
0xac: {  	_ =	swait.ge [sflag:s0], $0x1000  }
0xad: {  	p0 =	seq.s32 s7, $0x3138;
	[sflag:s0] =	ssyncset.done $0x0  }
.Ltmp2:
0xae: {  	[sflag:s0] =	ssyncadd.s32 $0xFFFFF000;
	(pc) =	sbr.rel @p0 .LBB2_4-.Ltmp2, $4  }
0xaf: {  	_ =	swait.ge [sflag:s0], $0x900  }
0xb0: {  	[sflag:s0] =	ssyncset.done $0x0  }
0xb1: {  	[sflag:s0] =	ssyncadd.s32 $0xFFFFF700  }
0xb2: {  	[hbm4b:s10+s3] =	stream.linear.scatter [tilespmem:s1], [sflag:$0x5], $0x6400, $0x38;
	[tilespmem:$0xCE40] =	vst v63  }
.Ltmp3:
0xb3: {  	(pc) =	sbr.rel .LBB2_2-.Ltmp3, $4  }
0xb4: {  	_ = 	snop  }
0xb5: {  	s2 =	sadd.s32 $0xC8, s9  }
0xb6: {  	s7 =	sadd.s32 $0xC8, s7;
	s6 =	sadd.s32 $0xC800, s6;
	s10 =	sadd.s32 $0x1900, s10  }
0xb7: {  	[tilespmem:s3], [sflag:$0x1] =	stream.linear.gather [hbm4b:s2+s3], $0x320, $0x38;
	[tilespmem:$0xCE40] =	vst v63  }
.LBB2_5:
0xb8: {  	_ =	sfence.sel $0x180000  }
0xb9: {  	[bflag:$0x0] =	sbarrier.arrive $0xFFFF  }
0xba: {  	_ =	strace $0x90000047  }
0xbb: {  	s0 =	stileid.u32;
	[bflag:$0x2] =	sbarrier.arrive $0xFFFF  }
0xbc: {  	p0 =	sne.s32 s0, $0x0;
	s0 =	rddreg [dreg:$0x2]  }
0xbd: {  	s0 =	sadd.s32 @!p0 $0x100000, s0  }
0xbe: {  	[sflag:s0] =	ssyncadd.tile.s32 @!p0 $0x1;
	_ =	shalt  }
.Lfunc_end2:
_tile_overlayer_lowered:
.L_overlay_start_2:
0xbf: {  	(tag) =	ssettag $0x2  }
0xc0: {  	s0 =	rddreg [dreg:$0x0];
	s2 =	stileid.u32  }
0xc1: {  	s1 =	rddreg [dreg:$0x1];
	p0 =	sne.s32 s2, $0x0  }
0xc2: {  	s3 =	rddreg [dreg:$0x2];
	[bflag:$0x3] =	sbarrier.arrive $0xFFFF;
	s2 =	simm.s32 @!p0 $0x1C07  }
0xc3: {  	[timem:s3], [sflag:s2] =	dma.local @!p0 [hbm:s0], s1  }
0xc4: {  	s0 =	simm.s32 @!p0 $0x7  }
0xc5: {  	_ =	swait.ge @!p0 [sflag:s0], s1  }
0xc6: {  	s1 =	ssub.s32 @!p0 $0x0, s1;
	[sflag:s0] =	ssyncset.done @!p0 $0x0  }
0xc7: {  	[sflag:s0] =	ssyncadd.s32 @!p0 s1  }
0xc8: {  	[bflag:$0x3] =	sbarrier.arrive $0xFFFF  }
0xc9: {  	_ =	shalt  }

// kernel: sparse-core-data-format-call.cloned.1.call-start
scs
called_computation_lowered:
.L_overlay_start_0:
0x0: {  	s2 =	sld [smem:$0x3FD9]  }
0x1: {  	s3 =	sld [smem:$0x3FFE];
	_ =	sdelay $0x1  }
0x2: {  	s1 =	srdreg.scid  }
0x3: {  	s0 =	sand.u32 $0x1, s1  }
0x4: {  	s18 =	sshll.u32 s0, $0xA;
	s2 =	sadd.s32 s3, s2  }
0x5: {  	s2 =	sadd.s32 s2, s18  }
0x6: {  	[smem:$0x3FC6] =	sst s2  }
0x7: {  	_ = 	snop  }
0x8: {  	s2 =	sld [smem:$0x3FD0];
	(tm) =	ssettm $0x1  }
0x9: {  	s19 =	sld [smem:$0x3FFB];
	_ =	sdelay $0x3  }
0xa: {  	_ =	strace s19  }
0xb: {  	s3 =	sld [smem:$0x3FFC];
	_ =	sdelay $0x3  }
0xc: {  	_ =	strace s3  }
0xd: {  	s3 =	sld [smem:$0x3FFD];
	_ =	sdelay $0x3  }
0xe: {  	_ =	strace s3  }
0xf: {  	_ =	strace $0x8FFFFFFF  }
0x10: {  	s20 =	sld [smem:$0x3FDB];
	_ =	sdelay $0x1  }
0x11: {  	s4 =	simm.s32 $_scs_section_size  }
0x12: {  	s5 =	simm.s32 $_size__tile_overlayer_lowered;
	s6 =	simm.s32 $_tile_overlayer_lowered  }
0x13: {  	s23 =	simm.s32 $0x1BFF;
	s22 =	sshll.u32 s6, $0x1;
	s3 =	sadd.s32 s4, s20  }
0x14: {  	s7 =	simm.s32 $0x0;
	s21 =	sshll.u32 s5, $0x1;
	s5 =	sadd.s32 s22, s3  }
0x15: {  	[timem:s7], [sflag:s23] =	dma.local [hbm:s5], s21  }
0x16: {  	_ =	swait.ge [sflag:s23], s21  }
0x17: {  	s4 =	ssub.s32 $0x0, s21;
	[sflag:s23] =	ssyncset.done $0x0  }
0x18: {  	[sflag:s23] =	ssyncadd.s32 s4;
	_ =	sdelay $0x1  }
0x19: {  	s24 =	simm.s32 $0x1B8B  }
0x1a: {  	_ =	swait.ge [sflag:s24], $0x1  }
0x1b: {  	[sflag:s24] =	ssyncset.done $0x0  }
0x1c: {  	s26 =	simm.s32 $0x1B8E;
	s25 =	sld [smem:$0x3FFE];
	[sflag:s24] =	ssyncadd.s32 $0xFFFFFFFF  }
0x1d: {  	s27 =	simm.s32 $execute0_lowered;
	[smem:$0x3FD2] =	sst s26  }
0x1e: {  	s5 =	sshll.u32 s27, $0x1;
	_ =	strace $0x80000049;
	[dreg:$0x1] =	wrdreg $0xFFFFFFFF  }
0x1f: {  	s28 =	simm.s32 $_size_execute0_lowered;
	s3 =	sadd.s32 s3, s5;
	[dreg:$0x0] =	wrdreg $0x0  }
0x20: {  	s5 =	sshll.u32 s28, $0x1;
	[dreg:$0x2] =	wrdreg s3  }
0x21: {  	[dreg:$0x3] =	wrdreg s5  }
0x22: {  	[dreg:$0x4] =	wrdreg $0xC0  }
0x23: {  	_ =	task [dreg:s7], $0x5FFFF  }
0x24: {  	[dreg:$0x1] =	wrdreg $0xFFFFFFFF  }
0x25: {  	[dreg:$0x0] =	wrdreg $0x60  }
0x26: {  	[dreg:$0x2] =	wrdreg s25  }
0x27: {  	[dreg:$0x3] =	wrdreg s2  }
0x28: {  	[dreg:$0x4] =	wrdreg $0x9  }
0x29: {  	_ =	task.clear_ibuf [dreg:s7], $0x5FFFF;
	_ =	strace $0x90000049  }
0x2a: {  	s29 =	simm.s32 $0x9;
	_ =	strace $0x8000004B  }
0x2b: {  	_ =	swait.ge [sflag:s29], $0x1  }
0x2c: {  	[sflag:s29] =	ssyncadd.s32 $0xFFFFFFFF  }
0x2d: {  	_ =	strace $0x9000004B  }
0x2e: {  	_ =	sfence  }
0x2f: {  	s30 =	sld [smem:$0x0];
	_ =	sdelay $0x2  }
0x30: {  	s31 =	sshll.u32 s1, $0xD;
	s1 =	sshrl.u32 s1, $0x2  }
0x31: {  	s3 =	sand.u32 $0x4000, s31;
	s1 =	sadd.s32 s1, s30  }
0x32: {  	s0 =	sor.u32 s3, s0;
	s1 =	sshll.u32 s1, $0x11  }
0x33: {  	s0 =	sor.u32 s1, s0  }
0x34: {  	s0 =	sadd.s32 $0x8F2B, s0  }
0x35: {  	[sflag:s0] =	ssyncadd.remote.s32 $0x1  }
0x36: {  	_ =	sfence.sel $0xFFFF  }
0x37: {  	[dreg:$0x0] =	wrdreg $0xFFFFFFFF;
	(pc) =	sbr.abs _section_cstart, $3  }
0x38: {  	[dreg:$0x1] =	wrdreg $0xFFFFFFFF  }
0x39: {  	_ =	task.clear_ibuf [dreg:s7], $0x2FFFF;
	_ =	strace $0x9FFFFFFF  }
0x3a: {  	(tm) =	ssettm $0x7FFFFFFF  }
0x3b: {  	_ =	shalt  }
tec
execute0_lowered:
.L_overlay_start_1:
0x0: {  	(tag) =	ssettag $0x1  }
0x1: {  	s0 =	srdreg.scid  }
0x2: {  	s1 =	sshll.u32 s0, $0x4  }
0x3: {  	s0 =	stileid.u32;
	s1 =	sand.u32 $0x10, s1  }
0x4: {  	s1 =	sor.u32 s0, s1  }
0x5: {  	s6 =	rddreg [dreg:$0x0];
	s4 =	simm.s32 $0x1;
	s2 =	sshll.u32 s1, $0x7  }
0x6: {  	s7 =	simm.s32 $0x2;
	s12 =	simm.s32 $0x0;
	s1 =	ssub.s32 $0x4000, s2  }
0x7: {  	s8 =	simm.s32 $0x20000;
	s13 =	simm.s32 $0x0;
	s3 =	sand.u32 $0xF80, s1  }
0x8: {  	s9 =	simm.s32 $0x0;
	s5 =	sshrl.u32 s1, $0xC;
	p0 =	sne.s32 s3, $0x0  }
.Ltmp0:
0x9: {  	s1 =	rddreg [dreg:$0x2];
	s4 =	simm.s32 @!p0 $0x0;
	(pc) =	sbr.rel .LBB1_1-.Ltmp0, $4  }
0xa: {  	s11 =	simm.s32 $0x0;
	s3 =	rddreg [dreg:$0x1];
	s5 =	sadd.s32 s4, s5  }
0xb: {  	_ =	strace $0x8000004A;
	s4 =	simm.s32 $0x1;
	s5 =	smul.u32 $0xC8, s5  }
0xc: {  	s6 =	sadd.s32 $0x800, s6;
	s10 =	smov.u32 s2;
	[sflag:s4] =	ssyncpa.u1 $0x0  }
0xd: {  	p0 =	por $0x0, $0x0;
	[sflag:s7] =	ssyncpa.u1 $0x0;
	s7 =	sor.u32 $0x1, s5  }
.LBB1_4:
0xe: {  	s16 =	sshll.u32 s13, $0x3;
	s17 =	sand.u32 $0x78, s13  }
0xf: {  	s30 =	sand.u32 $0xF800, s13;
	s12 =	sshll.u32 s12, $0x10;
	s16 =	sand.u32 $0x3C00, s16  }
0x10: {  	s31 =	sand.u32 $0x7, s13;
	s16 =	sor.u32 s17, s16;
	s17 =	sadd.s32 s3, s30  }
0x11: {  	s13 =	sshll.u32 s31, $0x12;
	s16 =	sshrl.u32 s16, $0x3;
	s12 =	sadd.s32 s12, s17  }
0x12: {  	[tilespmem:s15+$0x0 ss:$0x81] =	vst.msk $0xffff, v0;
	s13 =	sor.u32 $0x400, s13;
	s12 =	sadd.s32 s16, s12  }
0x13: {  	[hbm4b:s12+s13] =	stream.strided.scatter [tilespmem:s14], [sflag:$0x2], $0x1000, s8, s13, $0x20;
	[tilespmem:$0x4040] =	vst v63  }
.LBB1_5:
0x14: {  	s14 =	sadd.s32 $0x1, s9  }
0x15: {  	s12 =	sadd.s32 $0x1000, s10;
	s16 =	smov.u32 s10;
	p2 =	sgt.s32 s14, $0xC7  }
0x16: {  	s16 =	smov.u32 @p2 s12  }
0x17: {  	s14 =	simm.s32 @p2 $0x0;
	p2 =	sgt.s32 s16, $0x3FFF  }
0x18: {  	s16 =	smov.u32 @p2 s2;
	p2 =	sne.s32 s11, s7  }
.Ltmp1:
0x19: {  	p1 =	slt.u32 s11, $0x2;
	(pc) =	sbr.rel @!p2 .LBB1_6-.Ltmp1, $4  }
0x1a: {  	s15 =	simm.s32 @!p1 $0x2  }
0x1b: {  	s13 =	smov.u32 s10;
	p0 =	por !p0, !p0;
	_ =	swait.ge @!p1 [sflag:s15], $0x1000  }
0x1c: {  	s12 =	smov.u32 s9;
	[sflag:s15] =	ssyncset.done @!p1 $0x0;
	s9 =	smov.u32 s14  }
0x1d: {  	s11 =	sadd.s32 $0x1, s11;
	[sflag:s15] =	ssyncadd.s32 @!p1 $0xFFFFF000;
	s10 =	smov.u32 s16  }
.LBB1_1:
0x1e: {  	p1 =	sge.u32 s11, s5  }
0x1f: {  	s14 =	sand.u32 @!p1 $0x1FFFFFF, s9  }
0x20: {  	s15 =	smulhi.u32 @!p1 $0x147AE15, s14;
	_ =	sdelay $0x1  }
0x21: {  	s15 =	smul.u32 @!p1 $0xC8, s15  }
0x22: {  	s16 =	sxor.u32 @!p1 $0xFFFFFFFF, s11;
	s17 =	smul.u32 @!p1 $0xC80, s10  }
0x23: {  	s31 =	sadd.s32 $0xFFFFFFFF, s11;
	s16 =	sshll.u32 @!p1 s16, $0xC;
	s14 =	ssub.s32 @!p1 s14, s15  }
0x24: {  	s15 =	sand.u32 @!p1 $0x1000, s16;
	s16 =	sadd.s32 @!p1 s6, s17;
	s14 =	sshll.u32 @!p1 s14, $0x4  }
0x25: {  	s17 =	simm.s32 @!p1 $0x6400;
	s14 =	sadd.s32 @!p1 s14, s16;
	s16 =	simm.s32 @!p1 $0x20  }
0x26: {  	[tilespmem:s15], [sflag:$0x1] =	stream.strided.gather @!p1 [hbm4b:s14+s16], $0x1000, s17, s16, $0x38;
	[tilespmem:$0x4040] =	vst v63  }
0x27: {  	p1 =	sge.u32 s31, s5  }
.Ltmp2:
0x28: {  	_ = 	snop;
	(pc) =	sbr.rel @p1 .LBB1_5-.Ltmp2, $1  }
0x29: {  	_ =	sdelay $0x3  }
0x2a: {  	s14 =	simm.s32 $0x1  }
0x2b: {  	_ =	swait.ge [sflag:s4], $0x1000;
	s14 =	simm.s32 @!p0 $0x0  }
0x2c: {  	[sflag:s4] =	ssyncset.done $0x0;
	s15 =	sshll.u32 s14, $0xC  }
0x2d: {  	[sflag:s4] =	ssyncadd.s32 $0xFFFFF000;
	s18 =	sor.u32 $0x10, s15  }
0x2e: {  	s14 =	smul.u32 $0x4080, s14;
	v1 =	vld [tilespmem:s18+$0x0]  }
0x2f: {  	s30 =	sand.u32 $0x1, s11;
	v0 =	vld [tilespmem:s18+$0xFFFFFFF0]  }
0x30: {  	s15 =	smul.u32 $0x4080, s30;
	s14 =	sshrl.u32 s14, $0x2  }
0x31: {  	s16 =	sor.u32 $0x2000, s14  }
0x32: {  	s31 =	sshrl.u32 s15, $0x2;
	s15 =	sadd.s32 $0x0, s16  }
0x33: {  	s17 =	simm.s32 $0x4;
	s18 =	sadd.s32 $0x20, s18;
	s14 =	sor.u32 $0x2000, s31;
	[tilespmem:s15+$0x810 ss:$0x81] =	vst.msk $0xffff, v1  }
.LBB1_3:
0x34: {  	v1 =	vld [tilespmem:s18+$0x0];
	p1 =	sne.s32 s17, $0x1FC;
	[tilespmem:s15+$0x0 ss:$0x81] =	vst.msk $0xffff, v0;
	s15 =	smov.u32 s17;
	s17 =	sadd.s32 $0x4, s17  }
.Ltmp3:
0x35: {  	v0 =	vld [tilespmem:s18+$0xFFFFFFF0];
	(pc) =	sbr.rel @p1 .LBB1_3-.Ltmp3, $4  }
0x36: {  	_ = 	snop  }
0x37: {  	s15 =	sshra.s32 s15, $0x2  }
0x38: {  	s15 =	sadd.s32 s15, s16  }
0x39: {  	s18 =	sadd.s32 $0x20, s18;
	[tilespmem:s15+$0x810 ss:$0x81] =	vst.msk $0xffff, v1  }
.Ltmp4:
0x3a: {  	_ = 	snop;
	(pc) =	sbr.rel .LBB1_4-.Ltmp4, $1  }
0x3b: {  	_ =	sdelay $0x3  }
.LBB1_6:
0x3c: {  	_ =	sfence.sel $0x180000  }
0x3d: {  	s2 =	simm.s32 $0x1;
	[bflag:$0x0] =	sbarrier.arrive $0xFFFF  }
0x3e: {  	s31 =	simm.s32 $0x2;
	[sflag:s2] =	ssyncpa.u1 $0x1  }
0x3f: {  	[sflag:s31] =	ssyncpa.u1 $0x1  }
0x40: {  	p0 =	sne.s32 s0, $0x0;
	_ =	strace $0x9000004A  }
0x41: {  	s0 =	sadd.s32 @!p0 $0x100000, s1;
	[bflag:$0x2] =	sbarrier.arrive $0xFFFF  }
0x42: {  	[sflag:s0] =	ssyncadd.tile.s32 @!p0 $0x1;
	_ =	shalt  }
.Lfunc_end1:
_tile_overlayer_lowered:
.L_overlay_start_2:
0x43: {  	(tag) =	ssettag $0x2  }
0x44: {  	s0 =	rddreg [dreg:$0x0];
	s2 =	stileid.u32  }
0x45: {  	s1 =	rddreg [dreg:$0x1];
	p0 =	sne.s32 s2, $0x0  }
0x46: {  	s3 =	rddreg [dreg:$0x2];
	[bflag:$0x3] =	sbarrier.arrive $0xFFFF;
	s2 =	simm.s32 @!p0 $0x1C01  }
0x47: {  	[timem:s3], [sflag:s2] =	dma.local @!p0 [hbm:s0], s1  }
0x48: {  	s0 =	simm.s32 @!p0 $0x1  }
0x49: {  	_ =	swait.ge @!p0 [sflag:s0], s1  }
0x4a: {  	s1 =	ssub.s32 @!p0 $0x0, s1;
	[sflag:s0] =	ssyncset.done @!p0 $0x0  }
0x4b: {  	[sflag:s0] =	ssyncadd.s32 @!p0 s1  }
0x4c: {  	[bflag:$0x3] =	sbarrier.arrive $0xFFFF  }
0x4d: {  	_ =	shalt  }

</sc_bundles>
